<compile_context>
chip_gen: v7x
topology: tpu7x:2x2x1
jax: 0.10.2.dev20260603
libtpu: 0.0.44.dev20260713+nightly
codegen_flags: <defaults>
</compile_context>

<pallas_src>
import functools

import jax
import jax.numpy as jnp
from jax import lax
from jax.experimental import pallas as pl
from jax.experimental.pallas import tpu as pltpu
from jax.experimental.pallas import tpu_sc as plsc

B = 4096
D = 32
LANE = 128

_info = plsc.get_sparse_core_info()
_NC, _NS = _info.num_cores, _info.num_subcores
_NW = _NC * _NS
_BPW = B // _NW
_CH = 8

_mesh = plsc.VectorSubcoreMesh(core_axis_name="c", subcore_axis_name="s")


@functools.partial(
    pl.kernel,
    mesh=_mesh,
    out_type=[
        jax.ShapeDtypeStruct((D, B), jnp.float32),
        jax.ShapeDtypeStruct((D, B), jnp.float32),
    ],
    scratch_types=[
        pltpu.VMEM((_BPW + 16,), jnp.int32),
        pltpu.VMEM((_BPW + 16,), jnp.int32),
        pltpu.VMEM((2, _CH, D, LANE), jnp.float32),
        pltpu.VMEM((D, _BPW), jnp.float32),
        pltpu.VMEM((D, _BPW), jnp.float32),
        pltpu.SemaphoreType.DMA,
        pltpu.SemaphoreType.DMA,
    ],
    compiler_params=pltpu.CompilerParams(
        use_tc_tiling_on_sc=True, needs_layout_passes=False
    ),
)
def _sc_gather(u_hbm, i_hbm, utT_hbm, itT_hbm, wT_hbm, hT_hbm,
               u_vm, i_vm, slab_v, w_v, h_v, sem0, sem1):
    wid = lax.axis_index("s") * _NC + lax.axis_index("c")
    base = wid * _BPW
    pltpu.sync_copy(u_hbm.at[pl.ds(base, _BPW)], u_vm.at[pl.ds(0, _BPW)])
    pltpu.sync_copy(i_hbm.at[pl.ds(base, _BPW)], i_vm.at[pl.ds(0, _BPW)])

    rows0 = lax.iota(jnp.int32, 16)
    rows1 = rows0 + 16
    nch = _BPW // _CH

    def fire(table_hbm, idx16, buf, sem):
        for k in range(_CH):
            idx = idx16[k]
            col0 = pl.multiple_of((idx >> 7) * LANE, LANE)
            pltpu.async_copy(
                table_hbm.at[:, pl.ds(col0, LANE)],
                slab_v.at[buf, k],
                sem,
            )

    def drain_extract(idx16, c, buf, sem, dst_v):
        for k in range(_CH):
            pltpu.make_async_copy(
                utT_hbm.at[:, pl.ds(0, LANE)],
                slab_v.at[buf, k],
                sem,
            ).wait()
        for k in range(_CH):
            idx = idx16[k]
            r = jnp.broadcast_to(idx & (LANE - 1), (16,))
            jcol = jnp.broadcast_to(c * _CH + k, (16,))
            g0 = plsc.load_gather(slab_v.at[buf, k], [rows0, r])
            g1 = plsc.load_gather(slab_v.at[buf, k], [rows1, r])
            plsc.store_scatter(dst_v, [rows0, jcol], g0)
            plsc.store_scatter(dst_v, [rows1, jcol], g1)

    fire(utT_hbm, u_vm[pl.ds(0, 16)], 0, sem0)

    def body(c, carry):
        u16 = u_vm[pl.ds(c * _CH, 16)]
        i16 = i_vm[pl.ds(c * _CH, 16)]
        fire(itT_hbm, i16, 1, sem1)
        drain_extract(u16, c, 0, sem0, w_v)

        @pl.when(c < nch - 1)
        def _fire_next():
            u16n = u_vm[pl.ds((c + 1) * _CH, 16)]
            fire(utT_hbm, u16n, 0, sem0)

        drain_extract(i16, c, 1, sem1, h_v)
        return carry

    lax.fori_loop(0, nch, body, None)
    pltpu.sync_copy(w_v, wT_hbm.at[:, pl.ds(base, _BPW)])
    pltpu.sync_copy(h_v, hT_hbm.at[:, pl.ds(base, _BPW)])


_BM = 512


def _mm_body(hT_ref, wT_ref, out_ref):
    out_ref[...] = lax.dot_general(
        hT_ref[...].astype(jnp.bfloat16), wT_ref[...].astype(jnp.bfloat16),
        (((0,), (0,)), ((), ())),
        preferred_element_type=jnp.float32,
    )


def _tc_matmul(hT, wT):
    return pl.pallas_call(
        _mm_body,
        grid=(B // _BM,),
        in_specs=[
            pl.BlockSpec((D, _BM), lambda m: (0, m)),
            pl.BlockSpec((D, B), lambda m: (0, 0)),
        ],
        out_specs=pl.BlockSpec((_BM, B), lambda m: (m, 0)),
        out_shape=jax.ShapeDtypeStruct((B, B), jnp.float32),
    )(hT, wT)


@jax.jit
def kernel(u, i, user_table, item_table):
    utT = user_table.T
    itT = item_table.T
    wT, hT = _sc_gather(u, i, utT, itT)
    return _tc_matmul(hT, wT)

# --- scband reference (transcript-rebuilt; emitter-appended) ---
"""Pipeline reference for scband-model-mf-69552700391524 (READ-ONLY COPY).

The authoritative reference and input builder live on the scoring server;
editing this copy changes nothing except your own understanding.
"""

import jax, jax.numpy as jnp
import numpy as np

N_USERS = 1000000
N_SONGS = 1000000
D = 32
B = 4096

def setup_inputs(seed: int = 0) -> dict:
    key = jax.random.key(seed)
    k_u, k_i, k_uw, k_iw = jax.random.split(key, 4)
    u = jax.random.randint(k_u, (B,), 0, N_USERS, dtype=jnp.int64 if jax.config.jax_enable_x64 else jnp.int32)
    i = jax.random.randint(k_i, (B,), 0, N_SONGS, dtype=jnp.int64 if jax.config.jax_enable_x64 else jnp.int32)
    user_table = jax.random.uniform(k_uw, (N_USERS, D), dtype=jnp.float32, minval=-1.0, maxval=1.0)
    item_table = jax.random.uniform(k_iw, (N_SONGS, D), dtype=jnp.float32, minval=-1.0, maxval=1.0)
    return {"u": u, "i": i, "user_table": user_table, "item_table": item_table}

def reference(u, i, user_table, item_table):
    # w = self.user_emb(u); h = self.item_emb(i)
    w = jnp.take(user_table, u, axis=0)   # [B, D]
    h = jnp.take(item_table, i, axis=0)   # [B, D]
    # pred_rat = h @ w.T
    pred_rat = jnp.matmul(h, jnp.transpose(w, (1, 0)))  # [B, B]
    return pred_rat

if __name__ == "__main__":
    import jax
    _d = setup_inputs()
    print(jax.jit(kernel)(*tuple(_d.values())))

</pallas_src>

<mosaic_0001>
#map = affine_map<(d0, d1) -> (0)>
#map1 = affine_map<(d0, d1) -> (0, 0)>
module attributes {stable_mosaic.version = 14 : i64} {
  func.func @_sc_gather(%arg0: i32, %arg1: i32, %arg2: memref<4096xi32, #tpu.memory_space<hbm>>, %arg3: memref<4096xi32, #tpu.memory_space<hbm>>, %arg4: memref<32x1000000xf32, #tpu.memory_space<hbm>>, %arg5: memref<32x1000000xf32, #tpu.memory_space<hbm>>, %arg6: memref<32x4096xf32, #tpu.memory_space<hbm>>, %arg7: memref<32x4096xf32, #tpu.memory_space<hbm>>, %arg8: memref<144xi32, #tpu.memory_space<vmem>>, %arg9: memref<144xi32, #tpu.memory_space<vmem>>, %arg10: memref<2x8x32x128xf32, #tpu.memory_space<vmem>>, %arg11: memref<32x128xf32, #tpu.memory_space<vmem>>, %arg12: memref<32x128xf32, #tpu.memory_space<vmem>>, %arg13: memref<!tpu.dma_semaphore, #tpu.memory_space<semaphore_mem>>, %arg14: memref<!tpu.dma_semaphore, #tpu.memory_space<semaphore_mem>>) attributes {dimension_semantics = [#tpu.dimension_semantics<core_parallel>, #tpu.dimension_semantics<subcore_parallel>], iteration_bounds = array<i64: 2, 16>, scalar_prefetch = 0 : i64, scratch_operands = 7 : i64, tpu.core_type = #tpu.core_type<sc_vector_subcore>, window_params = [{transform_indices = #map}, {transform_indices = #map}, {transform_indices = #map1}, {transform_indices = #map1}, {transform_indices = #map1}, {transform_indices = #map1}]} {
    %mul3A = arith.constant 2 : i32
    %mul3A_0 = arith.muli %arg1, %mul3A : i32
    %add3A = arith.addi %mul3A_0, %arg0 : i32
    %mul3A_1 = arith.constant 128 : i32
    %mul3A_2 = arith.muli %add3A, %mul3A_1 : i32
    "tpu.region"() ({
      %run_scoped3A = tpu.sem_alloc : memref<!tpu.dma_semaphore, #tpu.memory_space<semaphore_mem>>
      %dma_start3A_174 = arith.constant 0 : i32
      %dma_start3A_175 = tpu.memref_slice %arg8[%dma_start3A_174] : memref<144xi32, #tpu.memory_space<vmem>> -> memref<128xi32, #tpu.memory_space<vmem>>
      %dma_start3A_176 = tpu.memref_slice %arg2[%mul3A_2] : memref<4096xi32, #tpu.memory_space<hbm>> -> memref<128xi32, #tpu.memory_space<hbm>>
      %dma_start3A_177 = arith.constant 0 : i32
      %dma_start3A_178 = tpu.memref_slice %arg8[%dma_start3A_177] : memref<144xi32, #tpu.memory_space<vmem>> -> memref<128xi32, #tpu.memory_space<vmem>>
      %dma_start3A_179 = tpu.memref_slice %arg2[%mul3A_2] : memref<4096xi32, #tpu.memory_space<hbm>> -> memref<128xi32, #tpu.memory_space<hbm>>
      tpu.enqueue_dma source(%dma_start3A_179 : memref<128xi32, #tpu.memory_space<hbm>>) target(%dma_start3A_178 : memref<128xi32, #tpu.memory_space<vmem>>) target_semaphore(%run_scoped3A : memref<!tpu.dma_semaphore, #tpu.memory_space<semaphore_mem>>)
      %dma_wait3A = arith.constant 0 : i32
      %dma_wait3A_180 = tpu.memref_slice %arg8[%dma_wait3A] : memref<144xi32, #tpu.memory_space<vmem>> -> memref<128xi32, #tpu.memory_space<vmem>>
      %dma_wait3A_181 = tpu.memref_slice %arg2[%mul3A_2] : memref<4096xi32, #tpu.memory_space<hbm>> -> memref<128xi32, #tpu.memory_space<hbm>>
      %dma_wait3A_182 = arith.constant 0 : i32
      %dma_wait3A_183 = tpu.memref_slice %arg8[%dma_wait3A_182] : memref<144xi32, #tpu.memory_space<vmem>> -> memref<128xi32, #tpu.memory_space<vmem>>
      %dma_wait3A_184 = tpu.memref_slice %arg2[%mul3A_2] : memref<4096xi32, #tpu.memory_space<hbm>> -> memref<128xi32, #tpu.memory_space<hbm>>
      tpu.wait_dma2 semaphore(%run_scoped3A : memref<!tpu.dma_semaphore, #tpu.memory_space<semaphore_mem>>) src(%dma_wait3A_184 : memref<128xi32, #tpu.memory_space<hbm>>) dst(%dma_wait3A_183 : memref<128xi32, #tpu.memory_space<vmem>>)
      tpu.yield
    }) : () -> ()
    "tpu.region"() ({
      %run_scoped3A = tpu.sem_alloc : memref<!tpu.dma_semaphore, #tpu.memory_space<semaphore_mem>>
      %dma_start3A_174 = arith.constant 0 : i32
      %dma_start3A_175 = tpu.memref_slice %arg9[%dma_start3A_174] : memref<144xi32, #tpu.memory_space<vmem>> -> memref<128xi32, #tpu.memory_space<vmem>>
      %dma_start3A_176 = tpu.memref_slice %arg3[%mul3A_2] : memref<4096xi32, #tpu.memory_space<hbm>> -> memref<128xi32, #tpu.memory_space<hbm>>
      %dma_start3A_177 = arith.constant 0 : i32
      %dma_start3A_178 = tpu.memref_slice %arg9[%dma_start3A_177] : memref<144xi32, #tpu.memory_space<vmem>> -> memref<128xi32, #tpu.memory_space<vmem>>
      %dma_start3A_179 = tpu.memref_slice %arg3[%mul3A_2] : memref<4096xi32, #tpu.memory_space<hbm>> -> memref<128xi32, #tpu.memory_space<hbm>>
      tpu.enqueue_dma source(%dma_start3A_179 : memref<128xi32, #tpu.memory_space<hbm>>) target(%dma_start3A_178 : memref<128xi32, #tpu.memory_space<vmem>>) target_semaphore(%run_scoped3A : memref<!tpu.dma_semaphore, #tpu.memory_space<semaphore_mem>>)
      %dma_wait3A = arith.constant 0 : i32
      %dma_wait3A_180 = tpu.memref_slice %arg9[%dma_wait3A] : memref<144xi32, #tpu.memory_space<vmem>> -> memref<128xi32, #tpu.memory_space<vmem>>
      %dma_wait3A_181 = tpu.memref_slice %arg3[%mul3A_2] : memref<4096xi32, #tpu.memory_space<hbm>> -> memref<128xi32, #tpu.memory_space<hbm>>
      %dma_wait3A_182 = arith.constant 0 : i32
      %dma_wait3A_183 = tpu.memref_slice %arg9[%dma_wait3A_182] : memref<144xi32, #tpu.memory_space<vmem>> -> memref<128xi32, #tpu.memory_space<vmem>>
      %dma_wait3A_184 = tpu.memref_slice %arg3[%mul3A_2] : memref<4096xi32, #tpu.memory_space<hbm>> -> memref<128xi32, #tpu.memory_space<hbm>>
      tpu.wait_dma2 semaphore(%run_scoped3A : memref<!tpu.dma_semaphore, #tpu.memory_space<semaphore_mem>>) src(%dma_wait3A_184 : memref<128xi32, #tpu.memory_space<hbm>>) dst(%dma_wait3A_183 : memref<128xi32, #tpu.memory_space<vmem>>)
      tpu.yield
    }) : () -> ()
    %iota3A = tpu.iota {dimensions = array<i32: 0>} : vector<16xi32>
    %add3A_3 = arith.constant 16 : i32
    %add3A_4 = vector.broadcast %add3A_3 : i32 to vector<16xi32>
    %add3A_5 = arith.addi %iota3A, %add3A_4 : vector<16xi32>
    %get3A = arith.constant 0 : index
    %get3A_6 = tpu.vector_load %arg8[%get3A] {strides = array<i32>} : memref<144xi32, #tpu.memory_space<vmem>>, vector<16xi32>,
    %slice3A = vector.extract_strided_slice %get3A_6 {offsets = [0], sizes = [1], strides = [1]} : vector<16xi32> to vector<1xi32>
    %squeeze3A = vector.extract %slice3A[0] : i32 from vector<1xi32>
    %shift_right_arithmetic3A = arith.constant 7 : i32
    %shift_right_arithmetic3A_7 = arith.shrsi %squeeze3A, %shift_right_arithmetic3A : i32
    %mul3A_8 = arith.constant 128 : i32
    %mul3A_9 = arith.muli %shift_right_arithmetic3A_7, %mul3A_8 : i32
    %multiple_of3A = tpu.assume_multiple %mul3A_9, 128 : i32
    %dma_start3A = arith.constant 0 : i32
    %dma_start3A_10 = arith.constant 0 : i32
    %dma_start3A_11 = arith.constant 0 : i32
    %dma_start3A_12 = arith.constant 0 : i32
    %dma_start3A_13 = tpu.memref_slice %arg10[%dma_start3A, %dma_start3A_10, %dma_start3A_11, %dma_start3A_12] : memref<2x8x32x128xf32, #tpu.memory_space<vmem>> -> memref<1x1x32x128xf32, #tpu.memory_space<vmem>>
    %dma_start3A_14 = tpu.memref_squeeze %dma_start3A_13 : memref<1x1x32x128xf32, #tpu.memory_space<vmem>> -> memref<32x128xf32, #tpu.memory_space<vmem>>
    %dma_start3A_15 = arith.constant 0 : i32
    %dma_start3A_16 = tpu.memref_slice %arg4[%dma_start3A_15, %multiple_of3A] : memref<32x1000000xf32, #tpu.memory_space<hbm>> -> memref<32x128xf32, #tpu.memory_space<hbm>>
    %dma_start3A_17 = arith.constant 0 : i32
    %dma_start3A_18 = arith.constant 0 : i32
    %dma_start3A_19 = tpu.memref_slice %arg10[%dma_start3A, %dma_start3A_10, %dma_start3A_17, %dma_start3A_18] : memref<2x8x32x128xf32, #tpu.memory_space<vmem>> -> memref<1x1x32x128xf32, #tpu.memory_space<vmem>>
    %dma_start3A_20 = tpu.memref_squeeze %dma_start3A_19 : memref<1x1x32x128xf32, #tpu.memory_space<vmem>> -> memref<32x128xf32, #tpu.memory_space<vmem>>
    %dma_start3A_21 = arith.constant 0 : i32
    %dma_start3A_22 = tpu.memref_slice %arg4[%dma_start3A_21, %multiple_of3A] : memref<32x1000000xf32, #tpu.memory_space<hbm>> -> memref<32x128xf32, #tpu.memory_space<hbm>>
    tpu.enqueue_dma source(%dma_start3A_22 : memref<32x128xf32, #tpu.memory_space<hbm>>) target(%dma_start3A_20 : memref<32x128xf32, #tpu.memory_space<vmem>>) target_semaphore(%arg13 : memref<!tpu.dma_semaphore, #tpu.memory_space<semaphore_mem>>)
    %slice3A_23 = vector.extract_strided_slice %get3A_6 {offsets = [1], sizes = [1], strides = [1]} : vector<16xi32> to vector<1xi32>
    %squeeze3A_24 = vector.extract %slice3A_23[0] : i32 from vector<1xi32>
    %shift_right_arithmetic3A_25 = arith.constant 7 : i32
    %shift_right_arithmetic3A_26 = arith.shrsi %squeeze3A_24, %shift_right_arithmetic3A_25 : i32
    %mul3A_27 = arith.constant 128 : i32
    %mul3A_28 = arith.muli %shift_right_arithmetic3A_26, %mul3A_27 : i32
    %multiple_of3A_29 = tpu.assume_multiple %mul3A_28, 128 : i32
    %dma_start3A_30 = arith.constant 0 : i32
    %dma_start3A_31 = arith.constant 1 : i32
    %dma_start3A_32 = arith.constant 0 : i32
    %dma_start3A_33 = arith.constant 0 : i32
    %dma_start3A_34 = tpu.memref_slice %arg10[%dma_start3A_30, %dma_start3A_31, %dma_start3A_32, %dma_start3A_33] : memref<2x8x32x128xf32, #tpu.memory_space<vmem>> -> memref<1x1x32x128xf32, #tpu.memory_space<vmem>>
    %dma_start3A_35 = tpu.memref_squeeze %dma_start3A_34 : memref<1x1x32x128xf32, #tpu.memory_space<vmem>> -> memref<32x128xf32, #tpu.memory_space<vmem>>
    %dma_start3A_36 = arith.constant 0 : i32
    %dma_start3A_37 = tpu.memref_slice %arg4[%dma_start3A_36, %multiple_of3A_29] : memref<32x1000000xf32, #tpu.memory_space<hbm>> -> memref<32x128xf32, #tpu.memory_space<hbm>>
    %dma_start3A_38 = arith.constant 0 : i32
    %dma_start3A_39 = arith.constant 0 : i32
    %dma_start3A_40 = tpu.memref_slice %arg10[%dma_start3A_30, %dma_start3A_31, %dma_start3A_38, %dma_start3A_39] : memref<2x8x32x128xf32, #tpu.memory_space<vmem>> -> memref<1x1x32x128xf32, #tpu.memory_space<vmem>>
    %dma_start3A_41 = tpu.memref_squeeze %dma_start3A_40 : memref<1x1x32x128xf32, #tpu.memory_space<vmem>> -> memref<32x128xf32, #tpu.memory_space<vmem>>
    %dma_start3A_42 = arith.constant 0 : i32
    %dma_start3A_43 = tpu.memref_slice %arg4[%dma_start3A_42, %multiple_of3A_29] : memref<32x1000000xf32, #tpu.memory_space<hbm>> -> memref<32x128xf32, #tpu.memory_space<hbm>>
    tpu.enqueue_dma source(%dma_start3A_43 : memref<32x128xf32, #tpu.memory_space<hbm>>) target(%dma_start3A_41 : memref<32x128xf32, #tpu.memory_space<vmem>>) target_semaphore(%arg13 : memref<!tpu.dma_semaphore, #tpu.memory_space<semaphore_mem>>)
    %slice3A_44 = vector.extract_strided_slice %get3A_6 {offsets = [2], sizes = [1], strides = [1]} : vector<16xi32> to vector<1xi32>
    %squeeze3A_45 = vector.extract %slice3A_44[0] : i32 from vector<1xi32>
    %shift_right_arithmetic3A_46 = arith.constant 7 : i32
    %shift_right_arithmetic3A_47 = arith.shrsi %squeeze3A_45, %shift_right_arithmetic3A_46 : i32
    %mul3A_48 = arith.constant 128 : i32
    %mul3A_49 = arith.muli %shift_right_arithmetic3A_47, %mul3A_48 : i32
    %multiple_of3A_50 = tpu.assume_multiple %mul3A_49, 128 : i32
    %dma_start3A_51 = arith.constant 0 : i32
    %dma_start3A_52 = arith.constant 2 : i32
    %dma_start3A_53 = arith.constant 0 : i32
    %dma_start3A_54 = arith.constant 0 : i32
    %dma_start3A_55 = tpu.memref_slice %arg10[%dma_start3A_51, %dma_start3A_52, %dma_start3A_53, %dma_start3A_54] : memref<2x8x32x128xf32, #tpu.memory_space<vmem>> -> memref<1x1x32x128xf32, #tpu.memory_space<vmem>>
    %dma_start3A_56 = tpu.memref_squeeze %dma_start3A_55 : memref<1x1x32x128xf32, #tpu.memory_space<vmem>> -> memref<32x128xf32, #tpu.memory_space<vmem>>
    %dma_start3A_57 = arith.constant 0 : i32
    %dma_start3A_58 = tpu.memref_slice %arg4[%dma_start3A_57, %multiple_of3A_50] : memref<32x1000000xf32, #tpu.memory_space<hbm>> -> memref<32x128xf32, #tpu.memory_space<hbm>>
    %dma_start3A_59 = arith.constant 0 : i32
    %dma_start3A_60 = arith.constant 0 : i32
    %dma_start3A_61 = tpu.memref_slice %arg10[%dma_start3A_51, %dma_start3A_52, %dma_start3A_59, %dma_start3A_60] : memref<2x8x32x128xf32, #tpu.memory_space<vmem>> -> memref<1x1x32x128xf32, #tpu.memory_space<vmem>>
    %dma_start3A_62 = tpu.memref_squeeze %dma_start3A_61 : memref<1x1x32x128xf32, #tpu.memory_space<vmem>> -> memref<32x128xf32, #tpu.memory_space<vmem>>
    %dma_start3A_63 = arith.constant 0 : i32
    %dma_start3A_64 = tpu.memref_slice %arg4[%dma_start3A_63, %multiple_of3A_50] : memref<32x1000000xf32, #tpu.memory_space<hbm>> -> memref<32x128xf32, #tpu.memory_space<hbm>>
    tpu.enqueue_dma source(%dma_start3A_64 : memref<32x128xf32, #tpu.memory_space<hbm>>) target(%dma_start3A_62 : memref<32x128xf32, #tpu.memory_space<vmem>>) target_semaphore(%arg13 : memref<!tpu.dma_semaphore, #tpu.memory_space<semaphore_mem>>)
    %slice3A_65 = vector.extract_strided_slice %get3A_6 {offsets = [3], sizes = [1], strides = [1]} : vector<16xi32> to vector<1xi32>
    %squeeze3A_66 = vector.extract %slice3A_65[0] : i32 from vector<1xi32>
    %shift_right_arithmetic3A_67 = arith.constant 7 : i32
    %shift_right_arithmetic3A_68 = arith.shrsi %squeeze3A_66, %shift_right_arithmetic3A_67 : i32
    %mul3A_69 = arith.constant 128 : i32
    %mul3A_70 = arith.muli %shift_right_arithmetic3A_68, %mul3A_69 : i32
    %multiple_of3A_71 = tpu.assume_multiple %mul3A_70, 128 : i32
    %dma_start3A_72 = arith.constant 0 : i32
    %dma_start3A_73 = arith.constant 3 : i32
    %dma_start3A_74 = arith.constant 0 : i32
    %dma_start3A_75 = arith.constant 0 : i32
    %dma_start3A_76 = tpu.memref_slice %arg10[%dma_start3A_72, %dma_start3A_73, %dma_start3A_74, %dma_start3A_75] : memref<2x8x32x128xf32, #tpu.memory_space<vmem>> -> memref<1x1x32x128xf32, #tpu.memory_space<vmem>>
    %dma_start3A_77 = tpu.memref_squeeze %dma_start3A_76 : memref<1x1x32x128xf32, #tpu.memory_space<vmem>> -> memref<32x128xf32, #tpu.memory_space<vmem>>
    %dma_start3A_78 = arith.constant 0 : i32
    %dma_start3A_79 = tpu.memref_slice %arg4[%dma_start3A_78, %multiple_of3A_71] : memref<32x1000000xf32, #tpu.memory_space<hbm>> -> memref<32x128xf32, #tpu.memory_space<hbm>>
    %dma_start3A_80 = arith.constant 0 : i32
    %dma_start3A_81 = arith.constant 0 : i32
    %dma_start3A_82 = tpu.memref_slice %arg10[%dma_start3A_72, %dma_start3A_73, %dma_start3A_80, %dma_start3A_81] : memref<2x8x32x128xf32, #tpu.memory_space<vmem>> -> memref<1x1x32x128xf32, #tpu.memory_space<vmem>>
    %dma_start3A_83 = tpu.memref_squeeze %dma_start3A_82 : memref<1x1x32x128xf32, #tpu.memory_space<vmem>> -> memref<32x128xf32, #tpu.memory_space<vmem>>
    %dma_start3A_84 = arith.constant 0 : i32
    %dma_start3A_85 = tpu.memref_slice %arg4[%dma_start3A_84, %multiple_of3A_71] : memref<32x1000000xf32, #tpu.memory_space<hbm>> -> memref<32x128xf32, #tpu.memory_space<hbm>>
    tpu.enqueue_dma source(%dma_start3A_85 : memref<32x128xf32, #tpu.memory_space<hbm>>) target(%dma_start3A_83 : memref<32x128xf32, #tpu.memory_space<vmem>>) target_semaphore(%arg13 : memref<!tpu.dma_semaphore, #tpu.memory_space<semaphore_mem>>)
    %slice3A_86 = vector.extract_strided_slice %get3A_6 {offsets = [4], sizes = [1], strides = [1]} : vector<16xi32> to vector<1xi32>
    %squeeze3A_87 = vector.extract %slice3A_86[0] : i32 from vector<1xi32>
    %shift_right_arithmetic3A_88 = arith.constant 7 : i32
    %shift_right_arithmetic3A_89 = arith.shrsi %squeeze3A_87, %shift_right_arithmetic3A_88 : i32
    %mul3A_90 = arith.constant 128 : i32
    %mul3A_91 = arith.muli %shift_right_arithmetic3A_89, %mul3A_90 : i32
    %multiple_of3A_92 = tpu.assume_multiple %mul3A_91, 128 : i32
    %dma_start3A_93 = arith.constant 0 : i32
    %dma_start3A_94 = arith.constant 4 : i32
    %dma_start3A_95 = arith.constant 0 : i32
    %dma_start3A_96 = arith.constant 0 : i32
    %dma_start3A_97 = tpu.memref_slice %arg10[%dma_start3A_93, %dma_start3A_94, %dma_start3A_95, %dma_start3A_96] : memref<2x8x32x128xf32, #tpu.memory_space<vmem>> -> memref<1x1x32x128xf32, #tpu.memory_space<vmem>>
    %dma_start3A_98 = tpu.memref_squeeze %dma_start3A_97 : memref<1x1x32x128xf32, #tpu.memory_space<vmem>> -> memref<32x128xf32, #tpu.memory_space<vmem>>
    %dma_start3A_99 = arith.constant 0 : i32
    %dma_start3A_100 = tpu.memref_slice %arg4[%dma_start3A_99, %multiple_of3A_92] : memref<32x1000000xf32, #tpu.memory_space<hbm>> -> memref<32x128xf32, #tpu.memory_space<hbm>>
    %dma_start3A_101 = arith.constant 0 : i32
    %dma_start3A_102 = arith.constant 0 : i32
    %dma_start3A_103 = tpu.memref_slice %arg10[%dma_start3A_93, %dma_start3A_94, %dma_start3A_101, %dma_start3A_102] : memref<2x8x32x128xf32, #tpu.memory_space<vmem>> -> memref<1x1x32x128xf32, #tpu.memory_space<vmem>>
    %dma_start3A_104 = tpu.memref_squeeze %dma_start3A_103 : memref<1x1x32x128xf32, #tpu.memory_space<vmem>> -> memref<32x128xf32, #tpu.memory_space<vmem>>
    %dma_start3A_105 = arith.constant 0 : i32
    %dma_start3A_106 = tpu.memref_slice %arg4[%dma_start3A_105, %multiple_of3A_92] : memref<32x1000000xf32, #tpu.memory_space<hbm>> -> memref<32x128xf32, #tpu.memory_space<hbm>>
    tpu.enqueue_dma source(%dma_start3A_106 : memref<32x128xf32, #tpu.memory_space<hbm>>) target(%dma_start3A_104 : memref<32x128xf32, #tpu.memory_space<vmem>>) target_semaphore(%arg13 : memref<!tpu.dma_semaphore, #tpu.memory_space<semaphore_mem>>)
    %slice3A_107 = vector.extract_strided_slice %get3A_6 {offsets = [5], sizes = [1], strides = [1]} : vector<16xi32> to vector<1xi32>
    %squeeze3A_108 = vector.extract %slice3A_107[0] : i32 from vector<1xi32>
    %shift_right_arithmetic3A_109 = arith.constant 7 : i32
    %shift_right_arithmetic3A_110 = arith.shrsi %squeeze3A_108, %shift_right_arithmetic3A_109 : i32
    %mul3A_111 = arith.constant 128 : i32
    %mul3A_112 = arith.muli %shift_right_arithmetic3A_110, %mul3A_111 : i32
    %multiple_of3A_113 = tpu.assume_multiple %mul3A_112, 128 : i32
    %dma_start3A_114 = arith.constant 0 : i32
    %dma_start3A_115 = arith.constant 5 : i32
    %dma_start3A_116 = arith.constant 0 : i32
    %dma_start3A_117 = arith.constant 0 : i32
    %dma_start3A_118 = tpu.memref_slice %arg10[%dma_start3A_114, %dma_start3A_115, %dma_start3A_116, %dma_start3A_117] : memref<2x8x32x128xf32, #tpu.memory_space<vmem>> -> memref<1x1x32x128xf32, #tpu.memory_space<vmem>>
    %dma_start3A_119 = tpu.memref_squeeze %dma_start3A_118 : memref<1x1x32x128xf32, #tpu.memory_space<vmem>> -> memref<32x128xf32, #tpu.memory_space<vmem>>
    %dma_start3A_120 = arith.constant 0 : i32
    %dma_start3A_121 = tpu.memref_slice %arg4[%dma_start3A_120, %multiple_of3A_113] : memref<32x1000000xf32, #tpu.memory_space<hbm>> -> memref<32x128xf32, #tpu.memory_space<hbm>>
    %dma_start3A_122 = arith.constant 0 : i32
    %dma_start3A_123 = arith.constant 0 : i32
    %dma_start3A_124 = tpu.memref_slice %arg10[%dma_start3A_114, %dma_start3A_115, %dma_start3A_122, %dma_start3A_123] : memref<2x8x32x128xf32, #tpu.memory_space<vmem>> -> memref<1x1x32x128xf32, #tpu.memory_space<vmem>>
    %dma_start3A_125 = tpu.memref_squeeze %dma_start3A_124 : memref<1x1x32x128xf32, #tpu.memory_space<vmem>> -> memref<32x128xf32, #tpu.memory_space<vmem>>
    %dma_start3A_126 = arith.constant 0 : i32
    %dma_start3A_127 = tpu.memref_slice %arg4[%dma_start3A_126, %multiple_of3A_113] : memref<32x1000000xf32, #tpu.memory_space<hbm>> -> memref<32x128xf32, #tpu.memory_space<hbm>>
    tpu.enqueue_dma source(%dma_start3A_127 : memref<32x128xf32, #tpu.memory_space<hbm>>) target(%dma_start3A_125 : memref<32x128xf32, #tpu.memory_space<vmem>>) target_semaphore(%arg13 : memref<!tpu.dma_semaphore, #tpu.memory_space<semaphore_mem>>)
    %slice3A_128 = vector.extract_strided_slice %get3A_6 {offsets = [6], sizes = [1], strides = [1]} : vector<16xi32> to vector<1xi32>
    %squeeze3A_129 = vector.extract %slice3A_128[0] : i32 from vector<1xi32>
    %shift_right_arithmetic3A_130 = arith.constant 7 : i32
    %shift_right_arithmetic3A_131 = arith.shrsi %squeeze3A_129, %shift_right_arithmetic3A_130 : i32
    %mul3A_132 = arith.constant 128 : i32
    %mul3A_133 = arith.muli %shift_right_arithmetic3A_131, %mul3A_132 : i32
    %multiple_of3A_134 = tpu.assume_multiple %mul3A_133, 128 : i32
    %dma_start3A_135 = arith.constant 0 : i32
    %dma_start3A_136 = arith.constant 6 : i32
    %dma_start3A_137 = arith.constant 0 : i32
    %dma_start3A_138 = arith.constant 0 : i32
    %dma_start3A_139 = tpu.memref_slice %arg10[%dma_start3A_135, %dma_start3A_136, %dma_start3A_137, %dma_start3A_138] : memref<2x8x32x128xf32, #tpu.memory_space<vmem>> -> memref<1x1x32x128xf32, #tpu.memory_space<vmem>>
    %dma_start3A_140 = tpu.memref_squeeze %dma_start3A_139 : memref<1x1x32x128xf32, #tpu.memory_space<vmem>> -> memref<32x128xf32, #tpu.memory_space<vmem>>
    %dma_start3A_141 = arith.constant 0 : i32
    %dma_start3A_142 = tpu.memref_slice %arg4[%dma_start3A_141, %multiple_of3A_134] : memref<32x1000000xf32, #tpu.memory_space<hbm>> -> memref<32x128xf32, #tpu.memory_space<hbm>>
    %dma_start3A_143 = arith.constant 0 : i32
    %dma_start3A_144 = arith.constant 0 : i32
    %dma_start3A_145 = tpu.memref_slice %arg10[%dma_start3A_135, %dma_start3A_136, %dma_start3A_143, %dma_start3A_144] : memref<2x8x32x128xf32, #tpu.memory_space<vmem>> -> memref<1x1x32x128xf32, #tpu.memory_space<vmem>>
    %dma_start3A_146 = tpu.memref_squeeze %dma_start3A_145 : memref<1x1x32x128xf32, #tpu.memory_space<vmem>> -> memref<32x128xf32, #tpu.memory_space<vmem>>
    %dma_start3A_147 = arith.constant 0 : i32
    %dma_start3A_148 = tpu.memref_slice %arg4[%dma_start3A_147, %multiple_of3A_134] : memref<32x1000000xf32, #tpu.memory_space<hbm>> -> memref<32x128xf32, #tpu.memory_space<hbm>>
    tpu.enqueue_dma source(%dma_start3A_148 : memref<32x128xf32, #tpu.memory_space<hbm>>) target(%dma_start3A_146 : memref<32x128xf32, #tpu.memory_space<vmem>>) target_semaphore(%arg13 : memref<!tpu.dma_semaphore, #tpu.memory_space<semaphore_mem>>)
    %slice3A_149 = vector.extract_strided_slice %get3A_6 {offsets = [7], sizes = [1], strides = [1]} : vector<16xi32> to vector<1xi32>
    %squeeze3A_150 = vector.extract %slice3A_149[0] : i32 from vector<1xi32>
    %shift_right_arithmetic3A_151 = arith.constant 7 : i32
    %shift_right_arithmetic3A_152 = arith.shrsi %squeeze3A_150, %shift_right_arithmetic3A_151 : i32
    %mul3A_153 = arith.constant 128 : i32
    %mul3A_154 = arith.muli %shift_right_arithmetic3A_152, %mul3A_153 : i32
    %multiple_of3A_155 = tpu.assume_multiple %mul3A_154, 128 : i32
    %dma_start3A_156 = arith.constant 0 : i32
    %dma_start3A_157 = arith.constant 7 : i32
    %dma_start3A_158 = arith.constant 0 : i32
    %dma_start3A_159 = arith.constant 0 : i32
    %dma_start3A_160 = tpu.memref_slice %arg10[%dma_start3A_156, %dma_start3A_157, %dma_start3A_158, %dma_start3A_159] : memref<2x8x32x128xf32, #tpu.memory_space<vmem>> -> memref<1x1x32x128xf32, #tpu.memory_space<vmem>>
    %dma_start3A_161 = tpu.memref_squeeze %dma_start3A_160 : memref<1x1x32x128xf32, #tpu.memory_space<vmem>> -> memref<32x128xf32, #tpu.memory_space<vmem>>
    %dma_start3A_162 = arith.constant 0 : i32
    %dma_start3A_163 = tpu.memref_slice %arg4[%dma_start3A_162, %multiple_of3A_155] : memref<32x1000000xf32, #tpu.memory_space<hbm>> -> memref<32x128xf32, #tpu.memory_space<hbm>>
    %dma_start3A_164 = arith.constant 0 : i32
    %dma_start3A_165 = arith.constant 0 : i32
    %dma_start3A_166 = tpu.memref_slice %arg10[%dma_start3A_156, %dma_start3A_157, %dma_start3A_164, %dma_start3A_165] : memref<2x8x32x128xf32, #tpu.memory_space<vmem>> -> memref<1x1x32x128xf32, #tpu.memory_space<vmem>>
    %dma_start3A_167 = tpu.memref_squeeze %dma_start3A_166 : memref<1x1x32x128xf32, #tpu.memory_space<vmem>> -> memref<32x128xf32, #tpu.memory_space<vmem>>
    %dma_start3A_168 = arith.constant 0 : i32
    %dma_start3A_169 = tpu.memref_slice %arg4[%dma_start3A_168, %multiple_of3A_155] : memref<32x1000000xf32, #tpu.memory_space<hbm>> -> memref<32x128xf32, #tpu.memory_space<hbm>>
    tpu.enqueue_dma source(%dma_start3A_169 : memref<32x128xf32, #tpu.memory_space<hbm>>) target(%dma_start3A_167 : memref<32x128xf32, #tpu.memory_space<vmem>>) target_semaphore(%arg13 : memref<!tpu.dma_semaphore, #tpu.memory_space<semaphore_mem>>)
    %scan3A = arith.constant 0 : i32
    %scan3A_170 = arith.constant 16 : i32
    %scan3A_171 = arith.addi %scan3A, %scan3A_170 : i32
    %scan3A_172 = arith.constant 1 : i32
    scf.for %scan3A_174 = %scan3A to %scan3A_171 step %scan3A_172  : i32 {
      %mul3A_175 = arith.constant 8 : i32
      %mul3A_176 = arith.muli %scan3A_174, %mul3A_175 : i32
      %get3A_177 = arith.index_cast %mul3A_176 : i32 to index
      %get3A_178 = tpu.vector_load %arg8[%get3A_177] {strides = array<i32>} : memref<144xi32, #tpu.memory_space<vmem>>, vector<16xi32>,
      %mul3A_179 = arith.constant 8 : i32
      %mul3A_180 = arith.muli %scan3A_174, %mul3A_179 : i32
      %get3A_181 = arith.index_cast %mul3A_180 : i32 to index
      %get3A_182 = tpu.vector_load %arg9[%get3A_181] {strides = array<i32>} : memref<144xi32, #tpu.memory_space<vmem>>, vector<16xi32>,
      %slice3A_183 = vector.extract_strided_slice %get3A_182 {offsets = [0], sizes = [1], strides = [1]} : vector<16xi32> to vector<1xi32>
      %squeeze3A_184 = vector.extract %slice3A_183[0] : i32 from vector<1xi32>
      %shift_right_arithmetic3A_185 = arith.constant 7 : i32
      %shift_right_arithmetic3A_186 = arith.shrsi %squeeze3A_184, %shift_right_arithmetic3A_185 : i32
      %mul3A_187 = arith.constant 128 : i32
      %mul3A_188 = arith.muli %shift_right_arithmetic3A_186, %mul3A_187 : i32
      %multiple_of3A_189 = tpu.assume_multiple %mul3A_188, 128 : i32
      %dma_start3A_190 = arith.constant 1 : i32
      %dma_start3A_191 = arith.constant 0 : i32
      %dma_start3A_192 = arith.constant 0 : i32
      %dma_start3A_193 = arith.constant 0 : i32
      %dma_start3A_194 = tpu.memref_slice %arg10[%dma_start3A_190, %dma_start3A_191, %dma_start3A_192, %dma_start3A_193] : memref<2x8x32x128xf32, #tpu.memory_space<vmem>> -> memref<1x1x32x128xf32, #tpu.memory_space<vmem>>
      %dma_start3A_195 = tpu.memref_squeeze %dma_start3A_194 : memref<1x1x32x128xf32, #tpu.memory_space<vmem>> -> memref<32x128xf32, #tpu.memory_space<vmem>>
      %dma_start3A_196 = arith.constant 0 : i32
      %dma_start3A_197 = tpu.memref_slice %arg5[%dma_start3A_196, %multiple_of3A_189] : memref<32x1000000xf32, #tpu.memory_space<hbm>> -> memref<32x128xf32, #tpu.memory_space<hbm>>
      %dma_start3A_198 = arith.constant 0 : i32
      %dma_start3A_199 = arith.constant 0 : i32
      %dma_start3A_200 = tpu.memref_slice %arg10[%dma_start3A_190, %dma_start3A_191, %dma_start3A_198, %dma_start3A_199] : memref<2x8x32x128xf32, #tpu.memory_space<vmem>> -> memref<1x1x32x128xf32, #tpu.memory_space<vmem>>
      %dma_start3A_201 = tpu.memref_squeeze %dma_start3A_200 : memref<1x1x32x128xf32, #tpu.memory_space<vmem>> -> memref<32x128xf32, #tpu.memory_space<vmem>>
      %dma_start3A_202 = arith.constant 0 : i32
      %dma_start3A_203 = tpu.memref_slice %arg5[%dma_start3A_202, %multiple_of3A_189] : memref<32x1000000xf32, #tpu.memory_space<hbm>> -> memref<32x128xf32, #tpu.memory_space<hbm>>
      tpu.enqueue_dma source(%dma_start3A_203 : memref<32x128xf32, #tpu.memory_space<hbm>>) target(%dma_start3A_201 : memref<32x128xf32, #tpu.memory_space<vmem>>) target_semaphore(%arg14 : memref<!tpu.dma_semaphore, #tpu.memory_space<semaphore_mem>>)
      %slice3A_204 = vector.extract_strided_slice %get3A_182 {offsets = [1], sizes = [1], strides = [1]} : vector<16xi32> to vector<1xi32>
      %squeeze3A_205 = vector.extract %slice3A_204[0] : i32 from vector<1xi32>
      %shift_right_arithmetic3A_206 = arith.constant 7 : i32
      %shift_right_arithmetic3A_207 = arith.shrsi %squeeze3A_205, %shift_right_arithmetic3A_206 : i32
      %mul3A_208 = arith.constant 128 : i32
      %mul3A_209 = arith.muli %shift_right_arithmetic3A_207, %mul3A_208 : i32
      %multiple_of3A_210 = tpu.assume_multiple %mul3A_209, 128 : i32
      %dma_start3A_211 = arith.constant 1 : i32
      %dma_start3A_212 = arith.constant 1 : i32
      %dma_start3A_213 = arith.constant 0 : i32
      %dma_start3A_214 = arith.constant 0 : i32
      %dma_start3A_215 = tpu.memref_slice %arg10[%dma_start3A_211, %dma_start3A_212, %dma_start3A_213, %dma_start3A_214] : memref<2x8x32x128xf32, #tpu.memory_space<vmem>> -> memref<1x1x32x128xf32, #tpu.memory_space<vmem>>
      %dma_start3A_216 = tpu.memref_squeeze %dma_start3A_215 : memref<1x1x32x128xf32, #tpu.memory_space<vmem>> -> memref<32x128xf32, #tpu.memory_space<vmem>>
      %dma_start3A_217 = arith.constant 0 : i32
      %dma_start3A_218 = tpu.memref_slice %arg5[%dma_start3A_217, %multiple_of3A_210] : memref<32x1000000xf32, #tpu.memory_space<hbm>> -> memref<32x128xf32, #tpu.memory_space<hbm>>
      %dma_start3A_219 = arith.constant 0 : i32
      %dma_start3A_220 = arith.constant 0 : i32
      %dma_start3A_221 = tpu.memref_slice %arg10[%dma_start3A_211, %dma_start3A_212, %dma_start3A_219, %dma_start3A_220] : memref<2x8x32x128xf32, #tpu.memory_space<vmem>> -> memref<1x1x32x128xf32, #tpu.memory_space<vmem>>
      %dma_start3A_222 = tpu.memref_squeeze %dma_start3A_221 : memref<1x1x32x128xf32, #tpu.memory_space<vmem>> -> memref<32x128xf32, #tpu.memory_space<vmem>>
      %dma_start3A_223 = arith.constant 0 : i32
      %dma_start3A_224 = tpu.memref_slice %arg5[%dma_start3A_223, %multiple_of3A_210] : memref<32x1000000xf32, #tpu.memory_space<hbm>> -> memref<32x128xf32, #tpu.memory_space<hbm>>
      tpu.enqueue_dma source(%dma_start3A_224 : memref<32x128xf32, #tpu.memory_space<hbm>>) target(%dma_start3A_222 : memref<32x128xf32, #tpu.memory_space<vmem>>) target_semaphore(%arg14 : memref<!tpu.dma_semaphore, #tpu.memory_space<semaphore_mem>>)
      %slice3A_225 = vector.extract_strided_slice %get3A_182 {offsets = [2], sizes = [1], strides = [1]} : vector<16xi32> to vector<1xi32>
      %squeeze3A_226 = vector.extract %slice3A_225[0] : i32 from vector<1xi32>
      %shift_right_arithmetic3A_227 = arith.constant 7 : i32
      %shift_right_arithmetic3A_228 = arith.shrsi %squeeze3A_226, %shift_right_arithmetic3A_227 : i32
      %mul3A_229 = arith.constant 128 : i32
      %mul3A_230 = arith.muli %shift_right_arithmetic3A_228, %mul3A_229 : i32
      %multiple_of3A_231 = tpu.assume_multiple %mul3A_230, 128 : i32
      %dma_start3A_232 = arith.constant 1 : i32
      %dma_start3A_233 = arith.constant 2 : i32
      %dma_start3A_234 = arith.constant 0 : i32
      %dma_start3A_235 = arith.constant 0 : i32
      %dma_start3A_236 = tpu.memref_slice %arg10[%dma_start3A_232, %dma_start3A_233, %dma_start3A_234, %dma_start3A_235] : memref<2x8x32x128xf32, #tpu.memory_space<vmem>> -> memref<1x1x32x128xf32, #tpu.memory_space<vmem>>
      %dma_start3A_237 = tpu.memref_squeeze %dma_start3A_236 : memref<1x1x32x128xf32, #tpu.memory_space<vmem>> -> memref<32x128xf32, #tpu.memory_space<vmem>>
      %dma_start3A_238 = arith.constant 0 : i32
      %dma_start3A_239 = tpu.memref_slice %arg5[%dma_start3A_238, %multiple_of3A_231] : memref<32x1000000xf32, #tpu.memory_space<hbm>> -> memref<32x128xf32, #tpu.memory_space<hbm>>
      %dma_start3A_240 = arith.constant 0 : i32
      %dma_start3A_241 = arith.constant 0 : i32
      %dma_start3A_242 = tpu.memref_slice %arg10[%dma_start3A_232, %dma_start3A_233, %dma_start3A_240, %dma_start3A_241] : memref<2x8x32x128xf32, #tpu.memory_space<vmem>> -> memref<1x1x32x128xf32, #tpu.memory_space<vmem>>
      %dma_start3A_243 = tpu.memref_squeeze %dma_start3A_242 : memref<1x1x32x128xf32, #tpu.memory_space<vmem>> -> memref<32x128xf32, #tpu.memory_space<vmem>>
      %dma_start3A_244 = arith.constant 0 : i32
      %dma_start3A_245 = tpu.memref_slice %arg5[%dma_start3A_244, %multiple_of3A_231] : memref<32x1000000xf32, #tpu.memory_space<hbm>> -> memref<32x128xf32, #tpu.memory_space<hbm>>
      tpu.enqueue_dma source(%dma_start3A_245 : memref<32x128xf32, #tpu.memory_space<hbm>>) target(%dma_start3A_243 : memref<32x128xf32, #tpu.memory_space<vmem>>) target_semaphore(%arg14 : memref<!tpu.dma_semaphore, #tpu.memory_space<semaphore_mem>>)
      %slice3A_246 = vector.extract_strided_slice %get3A_182 {offsets = [3], sizes = [1], strides = [1]} : vector<16xi32> to vector<1xi32>
      %squeeze3A_247 = vector.extract %slice3A_246[0] : i32 from vector<1xi32>
      %shift_right_arithmetic3A_248 = arith.constant 7 : i32
      %shift_right_arithmetic3A_249 = arith.shrsi %squeeze3A_247, %shift_right_arithmetic3A_248 : i32
      %mul3A_250 = arith.constant 128 : i32
      %mul3A_251 = arith.muli %shift_right_arithmetic3A_249, %mul3A_250 : i32
      %multiple_of3A_252 = tpu.assume_multiple %mul3A_251, 128 : i32
      %dma_start3A_253 = arith.constant 1 : i32
      %dma_start3A_254 = arith.constant 3 : i32
      %dma_start3A_255 = arith.constant 0 : i32
      %dma_start3A_256 = arith.constant 0 : i32
      %dma_start3A_257 = tpu.memref_slice %arg10[%dma_start3A_253, %dma_start3A_254, %dma_start3A_255, %dma_start3A_256] : memref<2x8x32x128xf32, #tpu.memory_space<vmem>> -> memref<1x1x32x128xf32, #tpu.memory_space<vmem>>
      %dma_start3A_258 = tpu.memref_squeeze %dma_start3A_257 : memref<1x1x32x128xf32, #tpu.memory_space<vmem>> -> memref<32x128xf32, #tpu.memory_space<vmem>>
      %dma_start3A_259 = arith.constant 0 : i32
      %dma_start3A_260 = tpu.memref_slice %arg5[%dma_start3A_259, %multiple_of3A_252] : memref<32x1000000xf32, #tpu.memory_space<hbm>> -> memref<32x128xf32, #tpu.memory_space<hbm>>
      %dma_start3A_261 = arith.constant 0 : i32
      %dma_start3A_262 = arith.constant 0 : i32
      %dma_start3A_263 = tpu.memref_slice %arg10[%dma_start3A_253, %dma_start3A_254, %dma_start3A_261, %dma_start3A_262] : memref<2x8x32x128xf32, #tpu.memory_space<vmem>> -> memref<1x1x32x128xf32, #tpu.memory_space<vmem>>
      %dma_start3A_264 = tpu.memref_squeeze %dma_start3A_263 : memref<1x1x32x128xf32, #tpu.memory_space<vmem>> -> memref<32x128xf32, #tpu.memory_space<vmem>>
      %dma_start3A_265 = arith.constant 0 : i32
      %dma_start3A_266 = tpu.memref_slice %arg5[%dma_start3A_265, %multiple_of3A_252] : memref<32x1000000xf32, #tpu.memory_space<hbm>> -> memref<32x128xf32, #tpu.memory_space<hbm>>
      tpu.enqueue_dma source(%dma_start3A_266 : memref<32x128xf32, #tpu.memory_space<hbm>>) target(%dma_start3A_264 : memref<32x128xf32, #tpu.memory_space<vmem>>) target_semaphore(%arg14 : memref<!tpu.dma_semaphore, #tpu.memory_space<semaphore_mem>>)
      %slice3A_267 = vector.extract_strided_slice %get3A_182 {offsets = [4], sizes = [1], strides = [1]} : vector<16xi32> to vector<1xi32>
      %squeeze3A_268 = vector.extract %slice3A_267[0] : i32 from vector<1xi32>
      %shift_right_arithmetic3A_269 = arith.constant 7 : i32
      %shift_right_arithmetic3A_270 = arith.shrsi %squeeze3A_268, %shift_right_arithmetic3A_269 : i32
      %mul3A_271 = arith.constant 128 : i32
      %mul3A_272 = arith.muli %shift_right_arithmetic3A_270, %mul3A_271 : i32
      %multiple_of3A_273 = tpu.assume_multiple %mul3A_272, 128 : i32
      %dma_start3A_274 = arith.constant 1 : i32
      %dma_start3A_275 = arith.constant 4 : i32
      %dma_start3A_276 = arith.constant 0 : i32
      %dma_start3A_277 = arith.constant 0 : i32
      %dma_start3A_278 = tpu.memref_slice %arg10[%dma_start3A_274, %dma_start3A_275, %dma_start3A_276, %dma_start3A_277] : memref<2x8x32x128xf32, #tpu.memory_space<vmem>> -> memref<1x1x32x128xf32, #tpu.memory_space<vmem>>
      %dma_start3A_279 = tpu.memref_squeeze %dma_start3A_278 : memref<1x1x32x128xf32, #tpu.memory_space<vmem>> -> memref<32x128xf32, #tpu.memory_space<vmem>>
      %dma_start3A_280 = arith.constant 0 : i32
      %dma_start3A_281 = tpu.memref_slice %arg5[%dma_start3A_280, %multiple_of3A_273] : memref<32x1000000xf32, #tpu.memory_space<hbm>> -> memref<32x128xf32, #tpu.memory_space<hbm>>
      %dma_start3A_282 = arith.constant 0 : i32
      %dma_start3A_283 = arith.constant 0 : i32
      %dma_start3A_284 = tpu.memref_slice %arg10[%dma_start3A_274, %dma_start3A_275, %dma_start3A_282, %dma_start3A_283] : memref<2x8x32x128xf32, #tpu.memory_space<vmem>> -> memref<1x1x32x128xf32, #tpu.memory_space<vmem>>
      %dma_start3A_285 = tpu.memref_squeeze %dma_start3A_284 : memref<1x1x32x128xf32, #tpu.memory_space<vmem>> -> memref<32x128xf32, #tpu.memory_space<vmem>>
      %dma_start3A_286 = arith.constant 0 : i32
      %dma_start3A_287 = tpu.memref_slice %arg5[%dma_start3A_286, %multiple_of3A_273] : memref<32x1000000xf32, #tpu.memory_space<hbm>> -> memref<32x128xf32, #tpu.memory_space<hbm>>
      tpu.enqueue_dma source(%dma_start3A_287 : memref<32x128xf32, #tpu.memory_space<hbm>>) target(%dma_start3A_285 : memref<32x128xf32, #tpu.memory_space<vmem>>) target_semaphore(%arg14 : memref<!tpu.dma_semaphore, #tpu.memory_space<semaphore_mem>>)
      %slice3A_288 = vector.extract_strided_slice %get3A_182 {offsets = [5], sizes = [1], strides = [1]} : vector<16xi32> to vector<1xi32>
      %squeeze3A_289 = vector.extract %slice3A_288[0] : i32 from vector<1xi32>
      %shift_right_arithmetic3A_290 = arith.constant 7 : i32
      %shift_right_arithmetic3A_291 = arith.shrsi %squeeze3A_289, %shift_right_arithmetic3A_290 : i32
      %mul3A_292 = arith.constant 128 : i32
      %mul3A_293 = arith.muli %shift_right_arithmetic3A_291, %mul3A_292 : i32
      %multiple_of3A_294 = tpu.assume_multiple %mul3A_293, 128 : i32
      %dma_start3A_295 = arith.constant 1 : i32
      %dma_start3A_296 = arith.constant 5 : i32
      %dma_start3A_297 = arith.constant 0 : i32
      %dma_start3A_298 = arith.constant 0 : i32
      %dma_start3A_299 = tpu.memref_slice %arg10[%dma_start3A_295, %dma_start3A_296, %dma_start3A_297, %dma_start3A_298] : memref<2x8x32x128xf32, #tpu.memory_space<vmem>> -> memref<1x1x32x128xf32, #tpu.memory_space<vmem>>
      %dma_start3A_300 = tpu.memref_squeeze %dma_start3A_299 : memref<1x1x32x128xf32, #tpu.memory_space<vmem>> -> memref<32x128xf32, #tpu.memory_space<vmem>>
      %dma_start3A_301 = arith.constant 0 : i32
      %dma_start3A_302 = tpu.memref_slice %arg5[%dma_start3A_301, %multiple_of3A_294] : memref<32x1000000xf32, #tpu.memory_space<hbm>> -> memref<32x128xf32, #tpu.memory_space<hbm>>
      %dma_start3A_303 = arith.constant 0 : i32
      %dma_start3A_304 = arith.constant 0 : i32
      %dma_start3A_305 = tpu.memref_slice %arg10[%dma_start3A_295, %dma_start3A_296, %dma_start3A_303, %dma_start3A_304] : memref<2x8x32x128xf32, #tpu.memory_space<vmem>> -> memref<1x1x32x128xf32, #tpu.memory_space<vmem>>
      %dma_start3A_306 = tpu.memref_squeeze %dma_start3A_305 : memref<1x1x32x128xf32, #tpu.memory_space<vmem>> -> memref<32x128xf32, #tpu.memory_space<vmem>>
      %dma_start3A_307 = arith.constant 0 : i32
      %dma_start3A_308 = tpu.memref_slice %arg5[%dma_start3A_307, %multiple_of3A_294] : memref<32x1000000xf32, #tpu.memory_space<hbm>> -> memref<32x128xf32, #tpu.memory_space<hbm>>
      tpu.enqueue_dma source(%dma_start3A_308 : memref<32x128xf32, #tpu.memory_space<hbm>>) target(%dma_start3A_306 : memref<32x128xf32, #tpu.memory_space<vmem>>) target_semaphore(%arg14 : memref<!tpu.dma_semaphore, #tpu.memory_space<semaphore_mem>>)
      %slice3A_309 = vector.extract_strided_slice %get3A_182 {offsets = [6], sizes = [1], strides = [1]} : vector<16xi32> to vector<1xi32>
      %squeeze3A_310 = vector.extract %slice3A_309[0] : i32 from vector<1xi32>
      %shift_right_arithmetic3A_311 = arith.constant 7 : i32
      %shift_right_arithmetic3A_312 = arith.shrsi %squeeze3A_310, %shift_right_arithmetic3A_311 : i32
      %mul3A_313 = arith.constant 128 : i32
      %mul3A_314 = arith.muli %shift_right_arithmetic3A_312, %mul3A_313 : i32
      %multiple_of3A_315 = tpu.assume_multiple %mul3A_314, 128 : i32
      %dma_start3A_316 = arith.constant 1 : i32
      %dma_start3A_317 = arith.constant 6 : i32
      %dma_start3A_318 = arith.constant 0 : i32
      %dma_start3A_319 = arith.constant 0 : i32
      %dma_start3A_320 = tpu.memref_slice %arg10[%dma_start3A_316, %dma_start3A_317, %dma_start3A_318, %dma_start3A_319] : memref<2x8x32x128xf32, #tpu.memory_space<vmem>> -> memref<1x1x32x128xf32, #tpu.memory_space<vmem>>
      %dma_start3A_321 = tpu.memref_squeeze %dma_start3A_320 : memref<1x1x32x128xf32, #tpu.memory_space<vmem>> -> memref<32x128xf32, #tpu.memory_space<vmem>>
      %dma_start3A_322 = arith.constant 0 : i32
      %dma_start3A_323 = tpu.memref_slice %arg5[%dma_start3A_322, %multiple_of3A_315] : memref<32x1000000xf32, #tpu.memory_space<hbm>> -> memref<32x128xf32, #tpu.memory_space<hbm>>
      %dma_start3A_324 = arith.constant 0 : i32
      %dma_start3A_325 = arith.constant 0 : i32
      %dma_start3A_326 = tpu.memref_slice %arg10[%dma_start3A_316, %dma_start3A_317, %dma_start3A_324, %dma_start3A_325] : memref<2x8x32x128xf32, #tpu.memory_space<vmem>> -> memref<1x1x32x128xf32, #tpu.memory_space<vmem>>
      %dma_start3A_327 = tpu.memref_squeeze %dma_start3A_326 : memref<1x1x32x128xf32, #tpu.memory_space<vmem>> -> memref<32x128xf32, #tpu.memory_space<vmem>>
      %dma_start3A_328 = arith.constant 0 : i32
      %dma_start3A_329 = tpu.memref_slice %arg5[%dma_start3A_328, %multiple_of3A_315] : memref<32x1000000xf32, #tpu.memory_space<hbm>> -> memref<32x128xf32, #tpu.memory_space<hbm>>
      tpu.enqueue_dma source(%dma_start3A_329 : memref<32x128xf32, #tpu.memory_space<hbm>>) target(%dma_start3A_327 : memref<32x128xf32, #tpu.memory_space<vmem>>) target_semaphore(%arg14 : memref<!tpu.dma_semaphore, #tpu.memory_space<semaphore_mem>>)
      %slice3A_330 = vector.extract_strided_slice %get3A_182 {offsets = [7], sizes = [1], strides = [1]} : vector<16xi32> to vector<1xi32>
      %squeeze3A_331 = vector.extract %slice3A_330[0] : i32 from vector<1xi32>
      %shift_right_arithmetic3A_332 = arith.constant 7 : i32
      %shift_right_arithmetic3A_333 = arith.shrsi %squeeze3A_331, %shift_right_arithmetic3A_332 : i32
      %mul3A_334 = arith.constant 128 : i32
      %mul3A_335 = arith.muli %shift_right_arithmetic3A_333, %mul3A_334 : i32
      %multiple_of3A_336 = tpu.assume_multiple %mul3A_335, 128 : i32
      %dma_start3A_337 = arith.constant 1 : i32
      %dma_start3A_338 = arith.constant 7 : i32
      %dma_start3A_339 = arith.constant 0 : i32
      %dma_start3A_340 = arith.constant 0 : i32
      %dma_start3A_341 = tpu.memref_slice %arg10[%dma_start3A_337, %dma_start3A_338, %dma_start3A_339, %dma_start3A_340] : memref<2x8x32x128xf32, #tpu.memory_space<vmem>> -> memref<1x1x32x128xf32, #tpu.memory_space<vmem>>
      %dma_start3A_342 = tpu.memref_squeeze %dma_start3A_341 : memref<1x1x32x128xf32, #tpu.memory_space<vmem>> -> memref<32x128xf32, #tpu.memory_space<vmem>>
      %dma_start3A_343 = arith.constant 0 : i32
      %dma_start3A_344 = tpu.memref_slice %arg5[%dma_start3A_343, %multiple_of3A_336] : memref<32x1000000xf32, #tpu.memory_space<hbm>> -> memref<32x128xf32, #tpu.memory_space<hbm>>
      %dma_start3A_345 = arith.constant 0 : i32
      %dma_start3A_346 = arith.constant 0 : i32
      %dma_start3A_347 = tpu.memref_slice %arg10[%dma_start3A_337, %dma_start3A_338, %dma_start3A_345, %dma_start3A_346] : memref<2x8x32x128xf32, #tpu.memory_space<vmem>> -> memref<1x1x32x128xf32, #tpu.memory_space<vmem>>
      %dma_start3A_348 = tpu.memref_squeeze %dma_start3A_347 : memref<1x1x32x128xf32, #tpu.memory_space<vmem>> -> memref<32x128xf32, #tpu.memory_space<vmem>>
      %dma_start3A_349 = arith.constant 0 : i32
      %dma_start3A_350 = tpu.memref_slice %arg5[%dma_start3A_349, %multiple_of3A_336] : memref<32x1000000xf32, #tpu.memory_space<hbm>> -> memref<32x128xf32, #tpu.memory_space<hbm>>
      tpu.enqueue_dma source(%dma_start3A_350 : memref<32x128xf32, #tpu.memory_space<hbm>>) target(%dma_start3A_348 : memref<32x128xf32, #tpu.memory_space<vmem>>) target_semaphore(%arg14 : memref<!tpu.dma_semaphore, #tpu.memory_space<semaphore_mem>>)
      %dma_wait3A = arith.constant 0 : i32
      %dma_wait3A_351 = arith.constant 0 : i32
      %dma_wait3A_352 = arith.constant 0 : i32
      %dma_wait3A_353 = arith.constant 0 : i32
      %dma_wait3A_354 = tpu.memref_slice %arg10[%dma_wait3A, %dma_wait3A_351, %dma_wait3A_352, %dma_wait3A_353] : memref<2x8x32x128xf32, #tpu.memory_space<vmem>> -> memref<1x1x32x128xf32, #tpu.memory_space<vmem>>
      %dma_wait3A_355 = tpu.memref_squeeze %dma_wait3A_354 : memref<1x1x32x128xf32, #tpu.memory_space<vmem>> -> memref<32x128xf32, #tpu.memory_space<vmem>>
      %dma_wait3A_356 = arith.constant 0 : i32
      %dma_wait3A_357 = arith.constant 0 : i32
      %dma_wait3A_358 = tpu.memref_slice %arg4[%dma_wait3A_356, %dma_wait3A_357] : memref<32x1000000xf32, #tpu.memory_space<hbm>> -> memref<32x128xf32, #tpu.memory_space<hbm>>
      %dma_wait3A_359 = arith.constant 0 : i32
      %dma_wait3A_360 = arith.constant 0 : i32
      %dma_wait3A_361 = tpu.memref_slice %arg10[%dma_wait3A, %dma_wait3A_351, %dma_wait3A_359, %dma_wait3A_360] : memref<2x8x32x128xf32, #tpu.memory_space<vmem>> -> memref<1x1x32x128xf32, #tpu.memory_space<vmem>>
      %dma_wait3A_362 = tpu.memref_squeeze %dma_wait3A_361 : memref<1x1x32x128xf32, #tpu.memory_space<vmem>> -> memref<32x128xf32, #tpu.memory_space<vmem>>
      %dma_wait3A_363 = arith.constant 0 : i32
      %dma_wait3A_364 = arith.constant 0 : i32
      %dma_wait3A_365 = tpu.memref_slice %arg4[%dma_wait3A_363, %dma_wait3A_364] : memref<32x1000000xf32, #tpu.memory_space<hbm>> -> memref<32x128xf32, #tpu.memory_space<hbm>>
      tpu.wait_dma2 semaphore(%arg13 : memref<!tpu.dma_semaphore, #tpu.memory_space<semaphore_mem>>) src(%dma_wait3A_365 : memref<32x128xf32, #tpu.memory_space<hbm>>) dst(%dma_wait3A_362 : memref<32x128xf32, #tpu.memory_space<vmem>>)
      %dma_wait3A_366 = arith.constant 0 : i32
      %dma_wait3A_367 = arith.constant 1 : i32
      %dma_wait3A_368 = arith.constant 0 : i32
      %dma_wait3A_369 = arith.constant 0 : i32
      %dma_wait3A_370 = tpu.memref_slice %arg10[%dma_wait3A_366, %dma_wait3A_367, %dma_wait3A_368, %dma_wait3A_369] : memref<2x8x32x128xf32, #tpu.memory_space<vmem>> -> memref<1x1x32x128xf32, #tpu.memory_space<vmem>>
      %dma_wait3A_371 = tpu.memref_squeeze %dma_wait3A_370 : memref<1x1x32x128xf32, #tpu.memory_space<vmem>> -> memref<32x128xf32, #tpu.memory_space<vmem>>
      %dma_wait3A_372 = arith.constant 0 : i32
      %dma_wait3A_373 = arith.constant 0 : i32
      %dma_wait3A_374 = tpu.memref_slice %arg4[%dma_wait3A_372, %dma_wait3A_373] : memref<32x1000000xf32, #tpu.memory_space<hbm>> -> memref<32x128xf32, #tpu.memory_space<hbm>>
      %dma_wait3A_375 = arith.constant 0 : i32
      %dma_wait3A_376 = arith.constant 0 : i32
      %dma_wait3A_377 = tpu.memref_slice %arg10[%dma_wait3A_366, %dma_wait3A_367, %dma_wait3A_375, %dma_wait3A_376] : memref<2x8x32x128xf32, #tpu.memory_space<vmem>> -> memref<1x1x32x128xf32, #tpu.memory_space<vmem>>
      %dma_wait3A_378 = tpu.memref_squeeze %dma_wait3A_377 : memref<1x1x32x128xf32, #tpu.memory_space<vmem>> -> memref<32x128xf32, #tpu.memory_space<vmem>>
      %dma_wait3A_379 = arith.constant 0 : i32
      %dma_wait3A_380 = arith.constant 0 : i32
      %dma_wait3A_381 = tpu.memref_slice %arg4[%dma_wait3A_379, %dma_wait3A_380] : memref<32x1000000xf32, #tpu.memory_space<hbm>> -> memref<32x128xf32, #tpu.memory_space<hbm>>
      tpu.wait_dma2 semaphore(%arg13 : memref<!tpu.dma_semaphore, #tpu.memory_space<semaphore_mem>>) src(%dma_wait3A_381 : memref<32x128xf32, #tpu.memory_space<hbm>>) dst(%dma_wait3A_378 : memref<32x128xf32, #tpu.memory_space<vmem>>)
      %dma_wait3A_382 = arith.constant 0 : i32
      %dma_wait3A_383 = arith.constant 2 : i32
      %dma_wait3A_384 = arith.constant 0 : i32
      %dma_wait3A_385 = arith.constant 0 : i32
      %dma_wait3A_386 = tpu.memref_slice %arg10[%dma_wait3A_382, %dma_wait3A_383, %dma_wait3A_384, %dma_wait3A_385] : memref<2x8x32x128xf32, #tpu.memory_space<vmem>> -> memref<1x1x32x128xf32, #tpu.memory_space<vmem>>
      %dma_wait3A_387 = tpu.memref_squeeze %dma_wait3A_386 : memref<1x1x32x128xf32, #tpu.memory_space<vmem>> -> memref<32x128xf32, #tpu.memory_space<vmem>>
      %dma_wait3A_388 = arith.constant 0 : i32
      %dma_wait3A_389 = arith.constant 0 : i32
      %dma_wait3A_390 = tpu.memref_slice %arg4[%dma_wait3A_388, %dma_wait3A_389] : memref<32x1000000xf32, #tpu.memory_space<hbm>> -> memref<32x128xf32, #tpu.memory_space<hbm>>
      %dma_wait3A_391 = arith.constant 0 : i32
      %dma_wait3A_392 = arith.constant 0 : i32
      %dma_wait3A_393 = tpu.memref_slice %arg10[%dma_wait3A_382, %dma_wait3A_383, %dma_wait3A_391, %dma_wait3A_392] : memref<2x8x32x128xf32, #tpu.memory_space<vmem>> -> memref<1x1x32x128xf32, #tpu.memory_space<vmem>>
      %dma_wait3A_394 = tpu.memref_squeeze %dma_wait3A_393 : memref<1x1x32x128xf32, #tpu.memory_space<vmem>> -> memref<32x128xf32, #tpu.memory_space<vmem>>
      %dma_wait3A_395 = arith.constant 0 : i32
      %dma_wait3A_396 = arith.constant 0 : i32
      %dma_wait3A_397 = tpu.memref_slice %arg4[%dma_wait3A_395, %dma_wait3A_396] : memref<32x1000000xf32, #tpu.memory_space<hbm>> -> memref<32x128xf32, #tpu.memory_space<hbm>>
      tpu.wait_dma2 semaphore(%arg13 : memref<!tpu.dma_semaphore, #tpu.memory_space<semaphore_mem>>) src(%dma_wait3A_397 : memref<32x128xf32, #tpu.memory_space<hbm>>) dst(%dma_wait3A_394 : memref<32x128xf32, #tpu.memory_space<vmem>>)
      %dma_wait3A_398 = arith.constant 0 : i32
      %dma_wait3A_399 = arith.constant 3 : i32
      %dma_wait3A_400 = arith.constant 0 : i32
      %dma_wait3A_401 = arith.constant 0 : i32
      %dma_wait3A_402 = tpu.memref_slice %arg10[%dma_wait3A_398, %dma_wait3A_399, %dma_wait3A_400, %dma_wait3A_401] : memref<2x8x32x128xf32, #tpu.memory_space<vmem>> -> memref<1x1x32x128xf32, #tpu.memory_space<vmem>>
      %dma_wait3A_403 = tpu.memref_squeeze %dma_wait3A_402 : memref<1x1x32x128xf32, #tpu.memory_space<vmem>> -> memref<32x128xf32, #tpu.memory_space<vmem>>
      %dma_wait3A_404 = arith.constant 0 : i32
      %dma_wait3A_405 = arith.constant 0 : i32
      %dma_wait3A_406 = tpu.memref_slice %arg4[%dma_wait3A_404, %dma_wait3A_405] : memref<32x1000000xf32, #tpu.memory_space<hbm>> -> memref<32x128xf32, #tpu.memory_space<hbm>>
      %dma_wait3A_407 = arith.constant 0 : i32
      %dma_wait3A_408 = arith.constant 0 : i32
      %dma_wait3A_409 = tpu.memref_slice %arg10[%dma_wait3A_398, %dma_wait3A_399, %dma_wait3A_407, %dma_wait3A_408] : memref<2x8x32x128xf32, #tpu.memory_space<vmem>> -> memref<1x1x32x128xf32, #tpu.memory_space<vmem>>
      %dma_wait3A_410 = tpu.memref_squeeze %dma_wait3A_409 : memref<1x1x32x128xf32, #tpu.memory_space<vmem>> -> memref<32x128xf32, #tpu.memory_space<vmem>>
      %dma_wait3A_411 = arith.constant 0 : i32
      %dma_wait3A_412 = arith.constant 0 : i32
      %dma_wait3A_413 = tpu.memref_slice %arg4[%dma_wait3A_411, %dma_wait3A_412] : memref<32x1000000xf32, #tpu.memory_space<hbm>> -> memref<32x128xf32, #tpu.memory_space<hbm>>
      tpu.wait_dma2 semaphore(%arg13 : memref<!tpu.dma_semaphore, #tpu.memory_space<semaphore_mem>>) src(%dma_wait3A_413 : memref<32x128xf32, #tpu.memory_space<hbm>>) dst(%dma_wait3A_410 : memref<32x128xf32, #tpu.memory_space<vmem>>)
      %dma_wait3A_414 = arith.constant 0 : i32
      %dma_wait3A_415 = arith.constant 4 : i32
      %dma_wait3A_416 = arith.constant 0 : i32
      %dma_wait3A_417 = arith.constant 0 : i32
      %dma_wait3A_418 = tpu.memref_slice %arg10[%dma_wait3A_414, %dma_wait3A_415, %dma_wait3A_416, %dma_wait3A_417] : memref<2x8x32x128xf32, #tpu.memory_space<vmem>> -> memref<1x1x32x128xf32, #tpu.memory_space<vmem>>
      %dma_wait3A_419 = tpu.memref_squeeze %dma_wait3A_418 : memref<1x1x32x128xf32, #tpu.memory_space<vmem>> -> memref<32x128xf32, #tpu.memory_space<vmem>>
      %dma_wait3A_420 = arith.constant 0 : i32
      %dma_wait3A_421 = arith.constant 0 : i32
      %dma_wait3A_422 = tpu.memref_slice %arg4[%dma_wait3A_420, %dma_wait3A_421] : memref<32x1000000xf32, #tpu.memory_space<hbm>> -> memref<32x128xf32, #tpu.memory_space<hbm>>
      %dma_wait3A_423 = arith.constant 0 : i32
      %dma_wait3A_424 = arith.constant 0 : i32
      %dma_wait3A_425 = tpu.memref_slice %arg10[%dma_wait3A_414, %dma_wait3A_415, %dma_wait3A_423, %dma_wait3A_424] : memref<2x8x32x128xf32, #tpu.memory_space<vmem>> -> memref<1x1x32x128xf32, #tpu.memory_space<vmem>>
      %dma_wait3A_426 = tpu.memref_squeeze %dma_wait3A_425 : memref<1x1x32x128xf32, #tpu.memory_space<vmem>> -> memref<32x128xf32, #tpu.memory_space<vmem>>
      %dma_wait3A_427 = arith.constant 0 : i32
      %dma_wait3A_428 = arith.constant 0 : i32
      %dma_wait3A_429 = tpu.memref_slice %arg4[%dma_wait3A_427, %dma_wait3A_428] : memref<32x1000000xf32, #tpu.memory_space<hbm>> -> memref<32x128xf32, #tpu.memory_space<hbm>>
      tpu.wait_dma2 semaphore(%arg13 : memref<!tpu.dma_semaphore, #tpu.memory_space<semaphore_mem>>) src(%dma_wait3A_429 : memref<32x128xf32, #tpu.memory_space<hbm>>) dst(%dma_wait3A_426 : memref<32x128xf32, #tpu.memory_space<vmem>>)
      %dma_wait3A_430 = arith.constant 0 : i32
      %dma_wait3A_431 = arith.constant 5 : i32
      %dma_wait3A_432 = arith.constant 0 : i32
      %dma_wait3A_433 = arith.constant 0 : i32
      %dma_wait3A_434 = tpu.memref_slice %arg10[%dma_wait3A_430, %dma_wait3A_431, %dma_wait3A_432, %dma_wait3A_433] : memref<2x8x32x128xf32, #tpu.memory_space<vmem>> -> memref<1x1x32x128xf32, #tpu.memory_space<vmem>>
      %dma_wait3A_435 = tpu.memref_squeeze %dma_wait3A_434 : memref<1x1x32x128xf32, #tpu.memory_space<vmem>> -> memref<32x128xf32, #tpu.memory_space<vmem>>
      %dma_wait3A_436 = arith.constant 0 : i32
      %dma_wait3A_437 = arith.constant 0 : i32
      %dma_wait3A_438 = tpu.memref_slice %arg4[%dma_wait3A_436, %dma_wait3A_437] : memref<32x1000000xf32, #tpu.memory_space<hbm>> -> memref<32x128xf32, #tpu.memory_space<hbm>>
      %dma_wait3A_439 = arith.constant 0 : i32
      %dma_wait3A_440 = arith.constant 0 : i32
      %dma_wait3A_441 = tpu.memref_slice %arg10[%dma_wait3A_430, %dma_wait3A_431, %dma_wait3A_439, %dma_wait3A_440] : memref<2x8x32x128xf32, #tpu.memory_space<vmem>> -> memref<1x1x32x128xf32, #tpu.memory_space<vmem>>
      %dma_wait3A_442 = tpu.memref_squeeze %dma_wait3A_441 : memref<1x1x32x128xf32, #tpu.memory_space<vmem>> -> memref<32x128xf32, #tpu.memory_space<vmem>>
      %dma_wait3A_443 = arith.constant 0 : i32
      %dma_wait3A_444 = arith.constant 0 : i32
      %dma_wait3A_445 = tpu.memref_slice %arg4[%dma_wait3A_443, %dma_wait3A_444] : memref<32x1000000xf32, #tpu.memory_space<hbm>> -> memref<32x128xf32, #tpu.memory_space<hbm>>
      tpu.wait_dma2 semaphore(%arg13 : memref<!tpu.dma_semaphore, #tpu.memory_space<semaphore_mem>>) src(%dma_wait3A_445 : memref<32x128xf32, #tpu.memory_space<hbm>>) dst(%dma_wait3A_442 : memref<32x128xf32, #tpu.memory_space<vmem>>)
      %dma_wait3A_446 = arith.constant 0 : i32
      %dma_wait3A_447 = arith.constant 6 : i32
      %dma_wait3A_448 = arith.constant 0 : i32
      %dma_wait3A_449 = arith.constant 0 : i32
      %dma_wait3A_450 = tpu.memref_slice %arg10[%dma_wait3A_446, %dma_wait3A_447, %dma_wait3A_448, %dma_wait3A_449] : memref<2x8x32x128xf32, #tpu.memory_space<vmem>> -> memref<1x1x32x128xf32, #tpu.memory_space<vmem>>
      %dma_wait3A_451 = tpu.memref_squeeze %dma_wait3A_450 : memref<1x1x32x128xf32, #tpu.memory_space<vmem>> -> memref<32x128xf32, #tpu.memory_space<vmem>>
      %dma_wait3A_452 = arith.constant 0 : i32
      %dma_wait3A_453 = arith.constant 0 : i32
      %dma_wait3A_454 = tpu.memref_slice %arg4[%dma_wait3A_452, %dma_wait3A_453] : memref<32x1000000xf32, #tpu.memory_space<hbm>> -> memref<32x128xf32, #tpu.memory_space<hbm>>
      %dma_wait3A_455 = arith.constant 0 : i32
      %dma_wait3A_456 = arith.constant 0 : i32
      %dma_wait3A_457 = tpu.memref_slice %arg10[%dma_wait3A_446, %dma_wait3A_447, %dma_wait3A_455, %dma_wait3A_456] : memref<2x8x32x128xf32, #tpu.memory_space<vmem>> -> memref<1x1x32x128xf32, #tpu.memory_space<vmem>>
      %dma_wait3A_458 = tpu.memref_squeeze %dma_wait3A_457 : memref<1x1x32x128xf32, #tpu.memory_space<vmem>> -> memref<32x128xf32, #tpu.memory_space<vmem>>
      %dma_wait3A_459 = arith.constant 0 : i32
      %dma_wait3A_460 = arith.constant 0 : i32
      %dma_wait3A_461 = tpu.memref_slice %arg4[%dma_wait3A_459, %dma_wait3A_460] : memref<32x1000000xf32, #tpu.memory_space<hbm>> -> memref<32x128xf32, #tpu.memory_space<hbm>>
      tpu.wait_dma2 semaphore(%arg13 : memref<!tpu.dma_semaphore, #tpu.memory_space<semaphore_mem>>) src(%dma_wait3A_461 : memref<32x128xf32, #tpu.memory_space<hbm>>) dst(%dma_wait3A_458 : memref<32x128xf32, #tpu.memory_space<vmem>>)
      %dma_wait3A_462 = arith.constant 0 : i32
      %dma_wait3A_463 = arith.constant 7 : i32
      %dma_wait3A_464 = arith.constant 0 : i32
      %dma_wait3A_465 = arith.constant 0 : i32
      %dma_wait3A_466 = tpu.memref_slice %arg10[%dma_wait3A_462, %dma_wait3A_463, %dma_wait3A_464, %dma_wait3A_465] : memref<2x8x32x128xf32, #tpu.memory_space<vmem>> -> memref<1x1x32x128xf32, #tpu.memory_space<vmem>>
      %dma_wait3A_467 = tpu.memref_squeeze %dma_wait3A_466 : memref<1x1x32x128xf32, #tpu.memory_space<vmem>> -> memref<32x128xf32, #tpu.memory_space<vmem>>
      %dma_wait3A_468 = arith.constant 0 : i32
      %dma_wait3A_469 = arith.constant 0 : i32
      %dma_wait3A_470 = tpu.memref_slice %arg4[%dma_wait3A_468, %dma_wait3A_469] : memref<32x1000000xf32, #tpu.memory_space<hbm>> -> memref<32x128xf32, #tpu.memory_space<hbm>>
      %dma_wait3A_471 = arith.constant 0 : i32
      %dma_wait3A_472 = arith.constant 0 : i32
      %dma_wait3A_473 = tpu.memref_slice %arg10[%dma_wait3A_462, %dma_wait3A_463, %dma_wait3A_471, %dma_wait3A_472] : memref<2x8x32x128xf32, #tpu.memory_space<vmem>> -> memref<1x1x32x128xf32, #tpu.memory_space<vmem>>
      %dma_wait3A_474 = tpu.memref_squeeze %dma_wait3A_473 : memref<1x1x32x128xf32, #tpu.memory_space<vmem>> -> memref<32x128xf32, #tpu.memory_space<vmem>>
      %dma_wait3A_475 = arith.constant 0 : i32
      %dma_wait3A_476 = arith.constant 0 : i32
      %dma_wait3A_477 = tpu.memref_slice %arg4[%dma_wait3A_475, %dma_wait3A_476] : memref<32x1000000xf32, #tpu.memory_space<hbm>> -> memref<32x128xf32, #tpu.memory_space<hbm>>
      tpu.wait_dma2 semaphore(%arg13 : memref<!tpu.dma_semaphore, #tpu.memory_space<semaphore_mem>>) src(%dma_wait3A_477 : memref<32x128xf32, #tpu.memory_space<hbm>>) dst(%dma_wait3A_474 : memref<32x128xf32, #tpu.memory_space<vmem>>)
      %slice3A_478 = vector.extract_strided_slice %get3A_178 {offsets = [0], sizes = [1], strides = [1]} : vector<16xi32> to vector<1xi32>
      %squeeze3A_479 = vector.extract %slice3A_478[0] : i32 from vector<1xi32>
      %and3A = arith.constant 127 : i32
      %and3A_480 = arith.andi %squeeze3A_479, %and3A : i32
      %broadcast_in_dim3A = vector.broadcast %and3A_480 : i32 to vector<16xi32>
      %mul3A_481 = arith.constant 8 : i32
      %mul3A_482 = arith.muli %scan3A_174, %mul3A_481 : i32
      %add3A_483 = arith.constant 0 : i32
      %add3A_484 = arith.addi %mul3A_482, %add3A_483 : i32
      %broadcast_in_dim3A_485 = vector.broadcast %add3A_484 : i32 to vector<16xi32>
      %gather3A = arith.constant 0 : i32
      %gather3A_486 = arith.constant 0 : i32
      %gather3A_487 = arith.constant 0 : i32
      %gather3A_488 = arith.constant 0 : i32
      %gather3A_489 = tpu.memref_slice %arg10[%gather3A, %gather3A_486, %gather3A_487, %gather3A_488] : memref<2x8x32x128xf32, #tpu.memory_space<vmem>> -> memref<1x1x32x128xf32, #tpu.memory_space<vmem>>
      %gather3A_490 = tpu.memref_squeeze %gather3A_489 : memref<1x1x32x128xf32, #tpu.memory_space<vmem>> -> memref<32x128xf32, #tpu.memory_space<vmem>>
      %gather3A_491 = tpu.vector_load_idx %gather3A_490[%iota3A, %broadcast_in_dim3A] : memref<32x128xf32, #tpu.memory_space<vmem>>[vector<16xi32>, vector<16xi32>], vector<16xf32>,
      %gather3A_492 = arith.constant 0 : i32
      %gather3A_493 = arith.constant 0 : i32
      %gather3A_494 = arith.constant 0 : i32
      %gather3A_495 = arith.constant 0 : i32
      %gather3A_496 = tpu.memref_slice %arg10[%gather3A_492, %gather3A_493, %gather3A_494, %gather3A_495] : memref<2x8x32x128xf32, #tpu.memory_space<vmem>> -> memref<1x1x32x128xf32, #tpu.memory_space<vmem>>
      %gather3A_497 = tpu.memref_squeeze %gather3A_496 : memref<1x1x32x128xf32, #tpu.memory_space<vmem>> -> memref<32x128xf32, #tpu.memory_space<vmem>>
      %gather3A_498 = tpu.vector_load_idx %gather3A_497[%add3A_5, %broadcast_in_dim3A] : memref<32x128xf32, #tpu.memory_space<vmem>>[vector<16xi32>, vector<16xi32>], vector<16xf32>,
      tpu.vector_store_idx %arg11[%iota3A, %broadcast_in_dim3A_485], %gather3A_491 : memref<32x128xf32, #tpu.memory_space<vmem>>[vector<16xi32>, vector<16xi32>], vector<16xf32>,
      tpu.vector_store_idx %arg11[%add3A_5, %broadcast_in_dim3A_485], %gather3A_498 : memref<32x128xf32, #tpu.memory_space<vmem>>[vector<16xi32>, vector<16xi32>], vector<16xf32>,
      %slice3A_499 = vector.extract_strided_slice %get3A_178 {offsets = [1], sizes = [1], strides = [1]} : vector<16xi32> to vector<1xi32>
      %squeeze3A_500 = vector.extract %slice3A_499[0] : i32 from vector<1xi32>
      %and3A_501 = arith.constant 127 : i32
      %and3A_502 = arith.andi %squeeze3A_500, %and3A_501 : i32
      %broadcast_in_dim3A_503 = vector.broadcast %and3A_502 : i32 to vector<16xi32>
      %mul3A_504 = arith.constant 8 : i32
      %mul3A_505 = arith.muli %scan3A_174, %mul3A_504 : i32
      %add3A_506 = arith.constant 1 : i32
      %add3A_507 = arith.addi %mul3A_505, %add3A_506 : i32
      %broadcast_in_dim3A_508 = vector.broadcast %add3A_507 : i32 to vector<16xi32>
      %gather3A_509 = arith.constant 0 : i32
      %gather3A_510 = arith.constant 1 : i32
      %gather3A_511 = arith.constant 0 : i32
      %gather3A_512 = arith.constant 0 : i32
      %gather3A_513 = tpu.memref_slice %arg10[%gather3A_509, %gather3A_510, %gather3A_511, %gather3A_512] : memref<2x8x32x128xf32, #tpu.memory_space<vmem>> -> memref<1x1x32x128xf32, #tpu.memory_space<vmem>>
      %gather3A_514 = tpu.memref_squeeze %gather3A_513 : memref<1x1x32x128xf32, #tpu.memory_space<vmem>> -> memref<32x128xf32, #tpu.memory_space<vmem>>
      %gather3A_515 = tpu.vector_load_idx %gather3A_514[%iota3A, %broadcast_in_dim3A_503] : memref<32x128xf32, #tpu.memory_space<vmem>>[vector<16xi32>, vector<16xi32>], vector<16xf32>,
      %gather3A_516 = arith.constant 0 : i32
      %gather3A_517 = arith.constant 1 : i32
      %gather3A_518 = arith.constant 0 : i32
      %gather3A_519 = arith.constant 0 : i32
      %gather3A_520 = tpu.memref_slice %arg10[%gather3A_516, %gather3A_517, %gather3A_518, %gather3A_519] : memref<2x8x32x128xf32, #tpu.memory_space<vmem>> -> memref<1x1x32x128xf32, #tpu.memory_space<vmem>>
      %gather3A_521 = tpu.memref_squeeze %gather3A_520 : memref<1x1x32x128xf32, #tpu.memory_space<vmem>> -> memref<32x128xf32, #tpu.memory_space<vmem>>
      %gather3A_522 = tpu.vector_load_idx %gather3A_521[%add3A_5, %broadcast_in_dim3A_503] : memref<32x128xf32, #tpu.memory_space<vmem>>[vector<16xi32>, vector<16xi32>], vector<16xf32>,
      tpu.vector_store_idx %arg11[%iota3A, %broadcast_in_dim3A_508], %gather3A_515 : memref<32x128xf32, #tpu.memory_space<vmem>>[vector<16xi32>, vector<16xi32>], vector<16xf32>,
      tpu.vector_store_idx %arg11[%add3A_5, %broadcast_in_dim3A_508], %gather3A_522 : memref<32x128xf32, #tpu.memory_space<vmem>>[vector<16xi32>, vector<16xi32>], vector<16xf32>,
      %slice3A_523 = vector.extract_strided_slice %get3A_178 {offsets = [2], sizes = [1], strides = [1]} : vector<16xi32> to vector<1xi32>
      %squeeze3A_524 = vector.extract %slice3A_523[0] : i32 from vector<1xi32>
      %and3A_525 = arith.constant 127 : i32
      %and3A_526 = arith.andi %squeeze3A_524, %and3A_525 : i32
      %broadcast_in_dim3A_527 = vector.broadcast %and3A_526 : i32 to vector<16xi32>
      %mul3A_528 = arith.constant 8 : i32
      %mul3A_529 = arith.muli %scan3A_174, %mul3A_528 : i32
      %add3A_530 = arith.constant 2 : i32
      %add3A_531 = arith.addi %mul3A_529, %add3A_530 : i32
      %broadcast_in_dim3A_532 = vector.broadcast %add3A_531 : i32 to vector<16xi32>
      %gather3A_533 = arith.constant 0 : i32
      %gather3A_534 = arith.constant 2 : i32
      %gather3A_535 = arith.constant 0 : i32
      %gather3A_536 = arith.constant 0 : i32
      %gather3A_537 = tpu.memref_slice %arg10[%gather3A_533, %gather3A_534, %gather3A_535, %gather3A_536] : memref<2x8x32x128xf32, #tpu.memory_space<vmem>> -> memref<1x1x32x128xf32, #tpu.memory_space<vmem>>
      %gather3A_538 = tpu.memref_squeeze %gather3A_537 : memref<1x1x32x128xf32, #tpu.memory_space<vmem>> -> memref<32x128xf32, #tpu.memory_space<vmem>>
      %gather3A_539 = tpu.vector_load_idx %gather3A_538[%iota3A, %broadcast_in_dim3A_527] : memref<32x128xf32, #tpu.memory_space<vmem>>[vector<16xi32>, vector<16xi32>], vector<16xf32>,
      %gather3A_540 = arith.constant 0 : i32
      %gather3A_541 = arith.constant 2 : i32
      %gather3A_542 = arith.constant 0 : i32
      %gather3A_543 = arith.constant 0 : i32
      %gather3A_544 = tpu.memref_slice %arg10[%gather3A_540, %gather3A_541, %gather3A_542, %gather3A_543] : memref<2x8x32x128xf32, #tpu.memory_space<vmem>> -> memref<1x1x32x128xf32, #tpu.memory_space<vmem>>
      %gather3A_545 = tpu.memref_squeeze %gather3A_544 : memref<1x1x32x128xf32, #tpu.memory_space<vmem>> -> memref<32x128xf32, #tpu.memory_space<vmem>>
      %gather3A_546 = tpu.vector_load_idx %gather3A_545[%add3A_5, %broadcast_in_dim3A_527] : memref<32x128xf32, #tpu.memory_space<vmem>>[vector<16xi32>, vector<16xi32>], vector<16xf32>,
      tpu.vector_store_idx %arg11[%iota3A, %broadcast_in_dim3A_532], %gather3A_539 : memref<32x128xf32, #tpu.memory_space<vmem>>[vector<16xi32>, vector<16xi32>], vector<16xf32>,
      tpu.vector_store_idx %arg11[%add3A_5, %broadcast_in_dim3A_532], %gather3A_546 : memref<32x128xf32, #tpu.memory_space<vmem>>[vector<16xi32>, vector<16xi32>], vector<16xf32>,
      %slice3A_547 = vector.extract_strided_slice %get3A_178 {offsets = [3], sizes = [1], strides = [1]} : vector<16xi32> to vector<1xi32>
      %squeeze3A_548 = vector.extract %slice3A_547[0] : i32 from vector<1xi32>
      %and3A_549 = arith.constant 127 : i32
      %and3A_550 = arith.andi %squeeze3A_548, %and3A_549 : i32
      %broadcast_in_dim3A_551 = vector.broadcast %and3A_550 : i32 to vector<16xi32>
      %mul3A_552 = arith.constant 8 : i32
      %mul3A_553 = arith.muli %scan3A_174, %mul3A_552 : i32
      %add3A_554 = arith.constant 3 : i32
      %add3A_555 = arith.addi %mul3A_553, %add3A_554 : i32
      %broadcast_in_dim3A_556 = vector.broadcast %add3A_555 : i32 to vector<16xi32>
      %gather3A_557 = arith.constant 0 : i32
      %gather3A_558 = arith.constant 3 : i32
      %gather3A_559 = arith.constant 0 : i32
      %gather3A_560 = arith.constant 0 : i32
      %gather3A_561 = tpu.memref_slice %arg10[%gather3A_557, %gather3A_558, %gather3A_559, %gather3A_560] : memref<2x8x32x128xf32, #tpu.memory_space<vmem>> -> memref<1x1x32x128xf32, #tpu.memory_space<vmem>>
      %gather3A_562 = tpu.memref_squeeze %gather3A_561 : memref<1x1x32x128xf32, #tpu.memory_space<vmem>> -> memref<32x128xf32, #tpu.memory_space<vmem>>
      %gather3A_563 = tpu.vector_load_idx %gather3A_562[%iota3A, %broadcast_in_dim3A_551] : memref<32x128xf32, #tpu.memory_space<vmem>>[vector<16xi32>, vector<16xi32>], vector<16xf32>,
      %gather3A_564 = arith.constant 0 : i32
      %gather3A_565 = arith.constant 3 : i32
      %gather3A_566 = arith.constant 0 : i32
      %gather3A_567 = arith.constant 0 : i32
      %gather3A_568 = tpu.memref_slice %arg10[%gather3A_564, %gather3A_565, %gather3A_566, %gather3A_567] : memref<2x8x32x128xf32, #tpu.memory_space<vmem>> -> memref<1x1x32x128xf32, #tpu.memory_space<vmem>>
      %gather3A_569 = tpu.memref_squeeze %gather3A_568 : memref<1x1x32x128xf32, #tpu.memory_space<vmem>> -> memref<32x128xf32, #tpu.memory_space<vmem>>
      %gather3A_570 = tpu.vector_load_idx %gather3A_569[%add3A_5, %broadcast_in_dim3A_551] : memref<32x128xf32, #tpu.memory_space<vmem>>[vector<16xi32>, vector<16xi32>], vector<16xf32>,
      tpu.vector_store_idx %arg11[%iota3A, %broadcast_in_dim3A_556], %gather3A_563 : memref<32x128xf32, #tpu.memory_space<vmem>>[vector<16xi32>, vector<16xi32>], vector<16xf32>,
      tpu.vector_store_idx %arg11[%add3A_5, %broadcast_in_dim3A_556], %gather3A_570 : memref<32x128xf32, #tpu.memory_space<vmem>>[vector<16xi32>, vector<16xi32>], vector<16xf32>,
      %slice3A_571 = vector.extract_strided_slice %get3A_178 {offsets = [4], sizes = [1], strides = [1]} : vector<16xi32> to vector<1xi32>
      %squeeze3A_572 = vector.extract %slice3A_571[0] : i32 from vector<1xi32>
      %and3A_573 = arith.constant 127 : i32
      %and3A_574 = arith.andi %squeeze3A_572, %and3A_573 : i32
      %broadcast_in_dim3A_575 = vector.broadcast %and3A_574 : i32 to vector<16xi32>
      %mul3A_576 = arith.constant 8 : i32
      %mul3A_577 = arith.muli %scan3A_174, %mul3A_576 : i32
      %add3A_578 = arith.constant 4 : i32
      %add3A_579 = arith.addi %mul3A_577, %add3A_578 : i32
      %broadcast_in_dim3A_580 = vector.broadcast %add3A_579 : i32 to vector<16xi32>
      %gather3A_581 = arith.constant 0 : i32
      %gather3A_582 = arith.constant 4 : i32
      %gather3A_583 = arith.constant 0 : i32
      %gather3A_584 = arith.constant 0 : i32
      %gather3A_585 = tpu.memref_slice %arg10[%gather3A_581, %gather3A_582, %gather3A_583, %gather3A_584] : memref<2x8x32x128xf32, #tpu.memory_space<vmem>> -> memref<1x1x32x128xf32, #tpu.memory_space<vmem>>
      %gather3A_586 = tpu.memref_squeeze %gather3A_585 : memref<1x1x32x128xf32, #tpu.memory_space<vmem>> -> memref<32x128xf32, #tpu.memory_space<vmem>>
      %gather3A_587 = tpu.vector_load_idx %gather3A_586[%iota3A, %broadcast_in_dim3A_575] : memref<32x128xf32, #tpu.memory_space<vmem>>[vector<16xi32>, vector<16xi32>], vector<16xf32>,
      %gather3A_588 = arith.constant 0 : i32
      %gather3A_589 = arith.constant 4 : i32
      %gather3A_590 = arith.constant 0 : i32
      %gather3A_591 = arith.constant 0 : i32
      %gather3A_592 = tpu.memref_slice %arg10[%gather3A_588, %gather3A_589, %gather3A_590, %gather3A_591] : memref<2x8x32x128xf32, #tpu.memory_space<vmem>> -> memref<1x1x32x128xf32, #tpu.memory_space<vmem>>
      %gather3A_593 = tpu.memref_squeeze %gather3A_592 : memref<1x1x32x128xf32, #tpu.memory_space<vmem>> -> memref<32x128xf32, #tpu.memory_space<vmem>>
      %gather3A_594 = tpu.vector_load_idx %gather3A_593[%add3A_5, %broadcast_in_dim3A_575] : memref<32x128xf32, #tpu.memory_space<vmem>>[vector<16xi32>, vector<16xi32>], vector<16xf32>,
      tpu.vector_store_idx %arg11[%iota3A, %broadcast_in_dim3A_580], %gather3A_587 : memref<32x128xf32, #tpu.memory_space<vmem>>[vector<16xi32>, vector<16xi32>], vector<16xf32>,
      tpu.vector_store_idx %arg11[%add3A_5, %broadcast_in_dim3A_580], %gather3A_594 : memref<32x128xf32, #tpu.memory_space<vmem>>[vector<16xi32>, vector<16xi32>], vector<16xf32>,
      %slice3A_595 = vector.extract_strided_slice %get3A_178 {offsets = [5], sizes = [1], strides = [1]} : vector<16xi32> to vector<1xi32>
      %squeeze3A_596 = vector.extract %slice3A_595[0] : i32 from vector<1xi32>
      %and3A_597 = arith.constant 127 : i32
      %and3A_598 = arith.andi %squeeze3A_596, %and3A_597 : i32
      %broadcast_in_dim3A_599 = vector.broadcast %and3A_598 : i32 to vector<16xi32>
      %mul3A_600 = arith.constant 8 : i32
      %mul3A_601 = arith.muli %scan3A_174, %mul3A_600 : i32
      %add3A_602 = arith.constant 5 : i32
      %add3A_603 = arith.addi %mul3A_601, %add3A_602 : i32
      %broadcast_in_dim3A_604 = vector.broadcast %add3A_603 : i32 to vector<16xi32>
      %gather3A_605 = arith.constant 0 : i32
      %gather3A_606 = arith.constant 5 : i32
      %gather3A_607 = arith.constant 0 : i32
      %gather3A_608 = arith.constant 0 : i32
      %gather3A_609 = tpu.memref_slice %arg10[%gather3A_605, %gather3A_606, %gather3A_607, %gather3A_608] : memref<2x8x32x128xf32, #tpu.memory_space<vmem>> -> memref<1x1x32x128xf32, #tpu.memory_space<vmem>>
      %gather3A_610 = tpu.memref_squeeze %gather3A_609 : memref<1x1x32x128xf32, #tpu.memory_space<vmem>> -> memref<32x128xf32, #tpu.memory_space<vmem>>
      %gather3A_611 = tpu.vector_load_idx %gather3A_610[%iota3A, %broadcast_in_dim3A_599] : memref<32x128xf32, #tpu.memory_space<vmem>>[vector<16xi32>, vector<16xi32>], vector<16xf32>,
      %gather3A_612 = arith.constant 0 : i32
      %gather3A_613 = arith.constant 5 : i32
      %gather3A_614 = arith.constant 0 : i32
      %gather3A_615 = arith.constant 0 : i32
      %gather3A_616 = tpu.memref_slice %arg10[%gather3A_612, %gather3A_613, %gather3A_614, %gather3A_615] : memref<2x8x32x128xf32, #tpu.memory_space<vmem>> -> memref<1x1x32x128xf32, #tpu.memory_space<vmem>>
      %gather3A_617 = tpu.memref_squeeze %gather3A_616 : memref<1x1x32x128xf32, #tpu.memory_space<vmem>> -> memref<32x128xf32, #tpu.memory_space<vmem>>
      %gather3A_618 = tpu.vector_load_idx %gather3A_617[%add3A_5, %broadcast_in_dim3A_599] : memref<32x128xf32, #tpu.memory_space<vmem>>[vector<16xi32>, vector<16xi32>], vector<16xf32>,
      tpu.vector_store_idx %arg11[%iota3A, %broadcast_in_dim3A_604], %gather3A_611 : memref<32x128xf32, #tpu.memory_space<vmem>>[vector<16xi32>, vector<16xi32>], vector<16xf32>,
      tpu.vector_store_idx %arg11[%add3A_5, %broadcast_in_dim3A_604], %gather3A_618 : memref<32x128xf32, #tpu.memory_space<vmem>>[vector<16xi32>, vector<16xi32>], vector<16xf32>,
      %slice3A_619 = vector.extract_strided_slice %get3A_178 {offsets = [6], sizes = [1], strides = [1]} : vector<16xi32> to vector<1xi32>
      %squeeze3A_620 = vector.extract %slice3A_619[0] : i32 from vector<1xi32>
      %and3A_621 = arith.constant 127 : i32
      %and3A_622 = arith.andi %squeeze3A_620, %and3A_621 : i32
      %broadcast_in_dim3A_623 = vector.broadcast %and3A_622 : i32 to vector<16xi32>
      %mul3A_624 = arith.constant 8 : i32
      %mul3A_625 = arith.muli %scan3A_174, %mul3A_624 : i32
      %add3A_626 = arith.constant 6 : i32
      %add3A_627 = arith.addi %mul3A_625, %add3A_626 : i32
      %broadcast_in_dim3A_628 = vector.broadcast %add3A_627 : i32 to vector<16xi32>
      %gather3A_629 = arith.constant 0 : i32
      %gather3A_630 = arith.constant 6 : i32
      %gather3A_631 = arith.constant 0 : i32
      %gather3A_632 = arith.constant 0 : i32
      %gather3A_633 = tpu.memref_slice %arg10[%gather3A_629, %gather3A_630, %gather3A_631, %gather3A_632] : memref<2x8x32x128xf32, #tpu.memory_space<vmem>> -> memref<1x1x32x128xf32, #tpu.memory_space<vmem>>
      %gather3A_634 = tpu.memref_squeeze %gather3A_633 : memref<1x1x32x128xf32, #tpu.memory_space<vmem>> -> memref<32x128xf32, #tpu.memory_space<vmem>>
      %gather3A_635 = tpu.vector_load_idx %gather3A_634[%iota3A, %broadcast_in_dim3A_623] : memref<32x128xf32, #tpu.memory_space<vmem>>[vector<16xi32>, vector<16xi32>], vector<16xf32>,
      %gather3A_636 = arith.constant 0 : i32
      %gather3A_637 = arith.constant 6 : i32
      %gather3A_638 = arith.constant 0 : i32
      %gather3A_639 = arith.constant 0 : i32
      %gather3A_640 = tpu.memref_slice %arg10[%gather3A_636, %gather3A_637, %gather3A_638, %gather3A_639] : memref<2x8x32x128xf32, #tpu.memory_space<vmem>> -> memref<1x1x32x128xf32, #tpu.memory_space<vmem>>
      %gather3A_641 = tpu.memref_squeeze %gather3A_640 : memref<1x1x32x128xf32, #tpu.memory_space<vmem>> -> memref<32x128xf32, #tpu.memory_space<vmem>>
      %gather3A_642 = tpu.vector_load_idx %gather3A_641[%add3A_5, %broadcast_in_dim3A_623] : memref<32x128xf32, #tpu.memory_space<vmem>>[vector<16xi32>, vector<16xi32>], vector<16xf32>,
      tpu.vector_store_idx %arg11[%iota3A, %broadcast_in_dim3A_628], %gather3A_635 : memref<32x128xf32, #tpu.memory_space<vmem>>[vector<16xi32>, vector<16xi32>], vector<16xf32>,
      tpu.vector_store_idx %arg11[%add3A_5, %broadcast_in_dim3A_628], %gather3A_642 : memref<32x128xf32, #tpu.memory_space<vmem>>[vector<16xi32>, vector<16xi32>], vector<16xf32>,
      %slice3A_643 = vector.extract_strided_slice %get3A_178 {offsets = [7], sizes = [1], strides = [1]} : vector<16xi32> to vector<1xi32>
      %squeeze3A_644 = vector.extract %slice3A_643[0] : i32 from vector<1xi32>
      %and3A_645 = arith.constant 127 : i32
      %and3A_646 = arith.andi %squeeze3A_644, %and3A_645 : i32
      %broadcast_in_dim3A_647 = vector.broadcast %and3A_646 : i32 to vector<16xi32>
      %mul3A_648 = arith.constant 8 : i32
      %mul3A_649 = arith.muli %scan3A_174, %mul3A_648 : i32
      %add3A_650 = arith.constant 7 : i32
      %add3A_651 = arith.addi %mul3A_649, %add3A_650 : i32
      %broadcast_in_dim3A_652 = vector.broadcast %add3A_651 : i32 to vector<16xi32>
      %gather3A_653 = arith.constant 0 : i32
      %gather3A_654 = arith.constant 7 : i32
      %gather3A_655 = arith.constant 0 : i32
      %gather3A_656 = arith.constant 0 : i32
      %gather3A_657 = tpu.memref_slice %arg10[%gather3A_653, %gather3A_654, %gather3A_655, %gather3A_656] : memref<2x8x32x128xf32, #tpu.memory_space<vmem>> -> memref<1x1x32x128xf32, #tpu.memory_space<vmem>>
      %gather3A_658 = tpu.memref_squeeze %gather3A_657 : memref<1x1x32x128xf32, #tpu.memory_space<vmem>> -> memref<32x128xf32, #tpu.memory_space<vmem>>
      %gather3A_659 = tpu.vector_load_idx %gather3A_658[%iota3A, %broadcast_in_dim3A_647] : memref<32x128xf32, #tpu.memory_space<vmem>>[vector<16xi32>, vector<16xi32>], vector<16xf32>,
      %gather3A_660 = arith.constant 0 : i32
      %gather3A_661 = arith.constant 7 : i32
      %gather3A_662 = arith.constant 0 : i32
      %gather3A_663 = arith.constant 0 : i32
      %gather3A_664 = tpu.memref_slice %arg10[%gather3A_660, %gather3A_661, %gather3A_662, %gather3A_663] : memref<2x8x32x128xf32, #tpu.memory_space<vmem>> -> memref<1x1x32x128xf32, #tpu.memory_space<vmem>>
      %gather3A_665 = tpu.memref_squeeze %gather3A_664 : memref<1x1x32x128xf32, #tpu.memory_space<vmem>> -> memref<32x128xf32, #tpu.memory_space<vmem>>
      %gather3A_666 = tpu.vector_load_idx %gather3A_665[%add3A_5, %broadcast_in_dim3A_647] : memref<32x128xf32, #tpu.memory_space<vmem>>[vector<16xi32>, vector<16xi32>], vector<16xf32>,
      tpu.vector_store_idx %arg11[%iota3A, %broadcast_in_dim3A_652], %gather3A_659 : memref<32x128xf32, #tpu.memory_space<vmem>>[vector<16xi32>, vector<16xi32>], vector<16xf32>,
      tpu.vector_store_idx %arg11[%add3A_5, %broadcast_in_dim3A_652], %gather3A_666 : memref<32x128xf32, #tpu.memory_space<vmem>>[vector<16xi32>, vector<16xi32>], vector<16xf32>,
      %lt3A = arith.constant 15 : i32
      %lt3A_667 = arith.cmpi slt, %scan3A_174, %lt3A : i32
      %convert_element_type3A = arith.extui %lt3A_667 : i1 to i32
      %cond3A = arith.constant 0 : i32
      %cond3A_668 = arith.cmpi ne, %convert_element_type3A, %cond3A : i32
      scf.if %cond3A_668 {
        %add3A_989 = arith.constant 1 : i32
        %add3A_990 = arith.addi %scan3A_174, %add3A_989 : i32
        %mul3A_991 = arith.constant 8 : i32
        %mul3A_992 = arith.muli %add3A_990, %mul3A_991 : i32
        %get3A_993 = arith.index_cast %mul3A_992 : i32 to index
        %get3A_994 = tpu.vector_load %arg8[%get3A_993] {strides = array<i32>} : memref<144xi32, #tpu.memory_space<vmem>>, vector<16xi32>,
        %slice3A_995 = vector.extract_strided_slice %get3A_994 {offsets = [0], sizes = [1], strides = [1]} : vector<16xi32> to vector<1xi32>
        %squeeze3A_996 = vector.extract %slice3A_995[0] : i32 from vector<1xi32>
        %shift_right_arithmetic3A_997 = arith.constant 7 : i32
        %shift_right_arithmetic3A_998 = arith.shrsi %squeeze3A_996, %shift_right_arithmetic3A_997 : i32
        %mul3A_999 = arith.constant 128 : i32
        %mul3A_1000 = arith.muli %shift_right_arithmetic3A_998, %mul3A_999 : i32
        %multiple_of3A_1001 = tpu.assume_multiple %mul3A_1000, 128 : i32
        %dma_start3A_1002 = arith.constant 0 : i32
        %dma_start3A_1003 = arith.constant 0 : i32
        %dma_start3A_1004 = arith.constant 0 : i32
        %dma_start3A_1005 = arith.constant 0 : i32
        %dma_start3A_1006 = tpu.memref_slice %arg10[%dma_start3A_1002, %dma_start3A_1003, %dma_start3A_1004, %dma_start3A_1005] : memref<2x8x32x128xf32, #tpu.memory_space<vmem>> -> memref<1x1x32x128xf32, #tpu.memory_space<vmem>>
        %dma_start3A_1007 = tpu.memref_squeeze %dma_start3A_1006 : memref<1x1x32x128xf32, #tpu.memory_space<vmem>> -> memref<32x128xf32, #tpu.memory_space<vmem>>
        %dma_start3A_1008 = arith.constant 0 : i32
        %dma_start3A_1009 = tpu.memref_slice %arg4[%dma_start3A_1008, %multiple_of3A_1001] : memref<32x1000000xf32, #tpu.memory_space<hbm>> -> memref<32x128xf32, #tpu.memory_space<hbm>>
        %dma_start3A_1010 = arith.constant 0 : i32
        %dma_start3A_1011 = arith.constant 0 : i32
        %dma_start3A_1012 = tpu.memref_slice %arg10[%dma_start3A_1002, %dma_start3A_1003, %dma_start3A_1010, %dma_start3A_1011] : memref<2x8x32x128xf32, #tpu.memory_space<vmem>> -> memref<1x1x32x128xf32, #tpu.memory_space<vmem>>
        %dma_start3A_1013 = tpu.memref_squeeze %dma_start3A_1012 : memref<1x1x32x128xf32, #tpu.memory_space<vmem>> -> memref<32x128xf32, #tpu.memory_space<vmem>>
        %dma_start3A_1014 = arith.constant 0 : i32
        %dma_start3A_1015 = tpu.memref_slice %arg4[%dma_start3A_1014, %multiple_of3A_1001] : memref<32x1000000xf32, #tpu.memory_space<hbm>> -> memref<32x128xf32, #tpu.memory_space<hbm>>
        tpu.enqueue_dma source(%dma_start3A_1015 : memref<32x128xf32, #tpu.memory_space<hbm>>) target(%dma_start3A_1013 : memref<32x128xf32, #tpu.memory_space<vmem>>) target_semaphore(%arg13 : memref<!tpu.dma_semaphore, #tpu.memory_space<semaphore_mem>>)
        %slice3A_1016 = vector.extract_strided_slice %get3A_994 {offsets = [1], sizes = [1], strides = [1]} : vector<16xi32> to vector<1xi32>
        %squeeze3A_1017 = vector.extract %slice3A_1016[0] : i32 from vector<1xi32>
        %shift_right_arithmetic3A_1018 = arith.constant 7 : i32
        %shift_right_arithmetic3A_1019 = arith.shrsi %squeeze3A_1017, %shift_right_arithmetic3A_1018 : i32
        %mul3A_1020 = arith.constant 128 : i32
        %mul3A_1021 = arith.muli %shift_right_arithmetic3A_1019, %mul3A_1020 : i32
        %multiple_of3A_1022 = tpu.assume_multiple %mul3A_1021, 128 : i32
        %dma_start3A_1023 = arith.constant 0 : i32
        %dma_start3A_1024 = arith.constant 1 : i32
        %dma_start3A_1025 = arith.constant 0 : i32
        %dma_start3A_1026 = arith.constant 0 : i32
        %dma_start3A_1027 = tpu.memref_slice %arg10[%dma_start3A_1023, %dma_start3A_1024, %dma_start3A_1025, %dma_start3A_1026] : memref<2x8x32x128xf32, #tpu.memory_space<vmem>> -> memref<1x1x32x128xf32, #tpu.memory_space<vmem>>
        %dma_start3A_1028 = tpu.memref_squeeze %dma_start3A_1027 : memref<1x1x32x128xf32, #tpu.memory_space<vmem>> -> memref<32x128xf32, #tpu.memory_space<vmem>>
        %dma_start3A_1029 = arith.constant 0 : i32
        %dma_start3A_1030 = tpu.memref_slice %arg4[%dma_start3A_1029, %multiple_of3A_1022] : memref<32x1000000xf32, #tpu.memory_space<hbm>> -> memref<32x128xf32, #tpu.memory_space<hbm>>
        %dma_start3A_1031 = arith.constant 0 : i32
        %dma_start3A_1032 = arith.constant 0 : i32
        %dma_start3A_1033 = tpu.memref_slice %arg10[%dma_start3A_1023, %dma_start3A_1024, %dma_start3A_1031, %dma_start3A_1032] : memref<2x8x32x128xf32, #tpu.memory_space<vmem>> -> memref<1x1x32x128xf32, #tpu.memory_space<vmem>>
        %dma_start3A_1034 = tpu.memref_squeeze %dma_start3A_1033 : memref<1x1x32x128xf32, #tpu.memory_space<vmem>> -> memref<32x128xf32, #tpu.memory_space<vmem>>
        %dma_start3A_1035 = arith.constant 0 : i32
        %dma_start3A_1036 = tpu.memref_slice %arg4[%dma_start3A_1035, %multiple_of3A_1022] : memref<32x1000000xf32, #tpu.memory_space<hbm>> -> memref<32x128xf32, #tpu.memory_space<hbm>>
        tpu.enqueue_dma source(%dma_start3A_1036 : memref<32x128xf32, #tpu.memory_space<hbm>>) target(%dma_start3A_1034 : memref<32x128xf32, #tpu.memory_space<vmem>>) target_semaphore(%arg13 : memref<!tpu.dma_semaphore, #tpu.memory_space<semaphore_mem>>)
        %slice3A_1037 = vector.extract_strided_slice %get3A_994 {offsets = [2], sizes = [1], strides = [1]} : vector<16xi32> to vector<1xi32>
        %squeeze3A_1038 = vector.extract %slice3A_1037[0] : i32 from vector<1xi32>
        %shift_right_arithmetic3A_1039 = arith.constant 7 : i32
        %shift_right_arithmetic3A_1040 = arith.shrsi %squeeze3A_1038, %shift_right_arithmetic3A_1039 : i32
        %mul3A_1041 = arith.constant 128 : i32
        %mul3A_1042 = arith.muli %shift_right_arithmetic3A_1040, %mul3A_1041 : i32
        %multiple_of3A_1043 = tpu.assume_multiple %mul3A_1042, 128 : i32
        %dma_start3A_1044 = arith.constant 0 : i32
        %dma_start3A_1045 = arith.constant 2 : i32
        %dma_start3A_1046 = arith.constant 0 : i32
        %dma_start3A_1047 = arith.constant 0 : i32
        %dma_start3A_1048 = tpu.memref_slice %arg10[%dma_start3A_1044, %dma_start3A_1045, %dma_start3A_1046, %dma_start3A_1047] : memref<2x8x32x128xf32, #tpu.memory_space<vmem>> -> memref<1x1x32x128xf32, #tpu.memory_space<vmem>>
        %dma_start3A_1049 = tpu.memref_squeeze %dma_start3A_1048 : memref<1x1x32x128xf32, #tpu.memory_space<vmem>> -> memref<32x128xf32, #tpu.memory_space<vmem>>
        %dma_start3A_1050 = arith.constant 0 : i32
        %dma_start3A_1051 = tpu.memref_slice %arg4[%dma_start3A_1050, %multiple_of3A_1043] : memref<32x1000000xf32, #tpu.memory_space<hbm>> -> memref<32x128xf32, #tpu.memory_space<hbm>>
        %dma_start3A_1052 = arith.constant 0 : i32
        %dma_start3A_1053 = arith.constant 0 : i32
        %dma_start3A_1054 = tpu.memref_slice %arg10[%dma_start3A_1044, %dma_start3A_1045, %dma_start3A_1052, %dma_start3A_1053] : memref<2x8x32x128xf32, #tpu.memory_space<vmem>> -> memref<1x1x32x128xf32, #tpu.memory_space<vmem>>
        %dma_start3A_1055 = tpu.memref_squeeze %dma_start3A_1054 : memref<1x1x32x128xf32, #tpu.memory_space<vmem>> -> memref<32x128xf32, #tpu.memory_space<vmem>>
        %dma_start3A_1056 = arith.constant 0 : i32
        %dma_start3A_1057 = tpu.memref_slice %arg4[%dma_start3A_1056, %multiple_of3A_1043] : memref<32x1000000xf32, #tpu.memory_space<hbm>> -> memref<32x128xf32, #tpu.memory_space<hbm>>
        tpu.enqueue_dma source(%dma_start3A_1057 : memref<32x128xf32, #tpu.memory_space<hbm>>) target(%dma_start3A_1055 : memref<32x128xf32, #tpu.memory_space<vmem>>) target_semaphore(%arg13 : memref<!tpu.dma_semaphore, #tpu.memory_space<semaphore_mem>>)
        %slice3A_1058 = vector.extract_strided_slice %get3A_994 {offsets = [3], sizes = [1], strides = [1]} : vector<16xi32> to vector<1xi32>
        %squeeze3A_1059 = vector.extract %slice3A_1058[0] : i32 from vector<1xi32>
        %shift_right_arithmetic3A_1060 = arith.constant 7 : i32
        %shift_right_arithmetic3A_1061 = arith.shrsi %squeeze3A_1059, %shift_right_arithmetic3A_1060 : i32
        %mul3A_1062 = arith.constant 128 : i32
        %mul3A_1063 = arith.muli %shift_right_arithmetic3A_1061, %mul3A_1062 : i32
        %multiple_of3A_1064 = tpu.assume_multiple %mul3A_1063, 128 : i32
        %dma_start3A_1065 = arith.constant 0 : i32
        %dma_start3A_1066 = arith.constant 3 : i32
        %dma_start3A_1067 = arith.constant 0 : i32
        %dma_start3A_1068 = arith.constant 0 : i32
        %dma_start3A_1069 = tpu.memref_slice %arg10[%dma_start3A_1065, %dma_start3A_1066, %dma_start3A_1067, %dma_start3A_1068] : memref<2x8x32x128xf32, #tpu.memory_space<vmem>> -> memref<1x1x32x128xf32, #tpu.memory_space<vmem>>
        %dma_start3A_1070 = tpu.memref_squeeze %dma_start3A_1069 : memref<1x1x32x128xf32, #tpu.memory_space<vmem>> -> memref<32x128xf32, #tpu.memory_space<vmem>>
        %dma_start3A_1071 = arith.constant 0 : i32
        %dma_start3A_1072 = tpu.memref_slice %arg4[%dma_start3A_1071, %multiple_of3A_1064] : memref<32x1000000xf32, #tpu.memory_space<hbm>> -> memref<32x128xf32, #tpu.memory_space<hbm>>
        %dma_start3A_1073 = arith.constant 0 : i32
        %dma_start3A_1074 = arith.constant 0 : i32
        %dma_start3A_1075 = tpu.memref_slice %arg10[%dma_start3A_1065, %dma_start3A_1066, %dma_start3A_1073, %dma_start3A_1074] : memref<2x8x32x128xf32, #tpu.memory_space<vmem>> -> memref<1x1x32x128xf32, #tpu.memory_space<vmem>>
        %dma_start3A_1076 = tpu.memref_squeeze %dma_start3A_1075 : memref<1x1x32x128xf32, #tpu.memory_space<vmem>> -> memref<32x128xf32, #tpu.memory_space<vmem>>
        %dma_start3A_1077 = arith.constant 0 : i32
        %dma_start3A_1078 = tpu.memref_slice %arg4[%dma_start3A_1077, %multiple_of3A_1064] : memref<32x1000000xf32, #tpu.memory_space<hbm>> -> memref<32x128xf32, #tpu.memory_space<hbm>>
        tpu.enqueue_dma source(%dma_start3A_1078 : memref<32x128xf32, #tpu.memory_space<hbm>>) target(%dma_start3A_1076 : memref<32x128xf32, #tpu.memory_space<vmem>>) target_semaphore(%arg13 : memref<!tpu.dma_semaphore, #tpu.memory_space<semaphore_mem>>)
        %slice3A_1079 = vector.extract_strided_slice %get3A_994 {offsets = [4], sizes = [1], strides = [1]} : vector<16xi32> to vector<1xi32>
        %squeeze3A_1080 = vector.extract %slice3A_1079[0] : i32 from vector<1xi32>
        %shift_right_arithmetic3A_1081 = arith.constant 7 : i32
        %shift_right_arithmetic3A_1082 = arith.shrsi %squeeze3A_1080, %shift_right_arithmetic3A_1081 : i32
        %mul3A_1083 = arith.constant 128 : i32
        %mul3A_1084 = arith.muli %shift_right_arithmetic3A_1082, %mul3A_1083 : i32
        %multiple_of3A_1085 = tpu.assume_multiple %mul3A_1084, 128 : i32
        %dma_start3A_1086 = arith.constant 0 : i32
        %dma_start3A_1087 = arith.constant 4 : i32
        %dma_start3A_1088 = arith.constant 0 : i32
        %dma_start3A_1089 = arith.constant 0 : i32
        %dma_start3A_1090 = tpu.memref_slice %arg10[%dma_start3A_1086, %dma_start3A_1087, %dma_start3A_1088, %dma_start3A_1089] : memref<2x8x32x128xf32, #tpu.memory_space<vmem>> -> memref<1x1x32x128xf32, #tpu.memory_space<vmem>>
        %dma_start3A_1091 = tpu.memref_squeeze %dma_start3A_1090 : memref<1x1x32x128xf32, #tpu.memory_space<vmem>> -> memref<32x128xf32, #tpu.memory_space<vmem>>
        %dma_start3A_1092 = arith.constant 0 : i32
        %dma_start3A_1093 = tpu.memref_slice %arg4[%dma_start3A_1092, %multiple_of3A_1085] : memref<32x1000000xf32, #tpu.memory_space<hbm>> -> memref<32x128xf32, #tpu.memory_space<hbm>>
        %dma_start3A_1094 = arith.constant 0 : i32
        %dma_start3A_1095 = arith.constant 0 : i32
        %dma_start3A_1096 = tpu.memref_slice %arg10[%dma_start3A_1086, %dma_start3A_1087, %dma_start3A_1094, %dma_start3A_1095] : memref<2x8x32x128xf32, #tpu.memory_space<vmem>> -> memref<1x1x32x128xf32, #tpu.memory_space<vmem>>
        %dma_start3A_1097 = tpu.memref_squeeze %dma_start3A_1096 : memref<1x1x32x128xf32, #tpu.memory_space<vmem>> -> memref<32x128xf32, #tpu.memory_space<vmem>>
        %dma_start3A_1098 = arith.constant 0 : i32
        %dma_start3A_1099 = tpu.memref_slice %arg4[%dma_start3A_1098, %multiple_of3A_1085] : memref<32x1000000xf32, #tpu.memory_space<hbm>> -> memref<32x128xf32, #tpu.memory_space<hbm>>
        tpu.enqueue_dma source(%dma_start3A_1099 : memref<32x128xf32, #tpu.memory_space<hbm>>) target(%dma_start3A_1097 : memref<32x128xf32, #tpu.memory_space<vmem>>) target_semaphore(%arg13 : memref<!tpu.dma_semaphore, #tpu.memory_space<semaphore_mem>>)
        %slice3A_1100 = vector.extract_strided_slice %get3A_994 {offsets = [5], sizes = [1], strides = [1]} : vector<16xi32> to vector<1xi32>
        %squeeze3A_1101 = vector.extract %slice3A_1100[0] : i32 from vector<1xi32>
        %shift_right_arithmetic3A_1102 = arith.constant 7 : i32
        %shift_right_arithmetic3A_1103 = arith.shrsi %squeeze3A_1101, %shift_right_arithmetic3A_1102 : i32
        %mul3A_1104 = arith.constant 128 : i32
        %mul3A_1105 = arith.muli %shift_right_arithmetic3A_1103, %mul3A_1104 : i32
        %multiple_of3A_1106 = tpu.assume_multiple %mul3A_1105, 128 : i32
        %dma_start3A_1107 = arith.constant 0 : i32
        %dma_start3A_1108 = arith.constant 5 : i32
        %dma_start3A_1109 = arith.constant 0 : i32
        %dma_start3A_1110 = arith.constant 0 : i32
        %dma_start3A_1111 = tpu.memref_slice %arg10[%dma_start3A_1107, %dma_start3A_1108, %dma_start3A_1109, %dma_start3A_1110] : memref<2x8x32x128xf32, #tpu.memory_space<vmem>> -> memref<1x1x32x128xf32, #tpu.memory_space<vmem>>
        %dma_start3A_1112 = tpu.memref_squeeze %dma_start3A_1111 : memref<1x1x32x128xf32, #tpu.memory_space<vmem>> -> memref<32x128xf32, #tpu.memory_space<vmem>>
        %dma_start3A_1113 = arith.constant 0 : i32
        %dma_start3A_1114 = tpu.memref_slice %arg4[%dma_start3A_1113, %multiple_of3A_1106] : memref<32x1000000xf32, #tpu.memory_space<hbm>> -> memref<32x128xf32, #tpu.memory_space<hbm>>
        %dma_start3A_1115 = arith.constant 0 : i32
        %dma_start3A_1116 = arith.constant 0 : i32
        %dma_start3A_1117 = tpu.memref_slice %arg10[%dma_start3A_1107, %dma_start3A_1108, %dma_start3A_1115, %dma_start3A_1116] : memref<2x8x32x128xf32, #tpu.memory_space<vmem>> -> memref<1x1x32x128xf32, #tpu.memory_space<vmem>>
        %dma_start3A_1118 = tpu.memref_squeeze %dma_start3A_1117 : memref<1x1x32x128xf32, #tpu.memory_space<vmem>> -> memref<32x128xf32, #tpu.memory_space<vmem>>
        %dma_start3A_1119 = arith.constant 0 : i32
        %dma_start3A_1120 = tpu.memref_slice %arg4[%dma_start3A_1119, %multiple_of3A_1106] : memref<32x1000000xf32, #tpu.memory_space<hbm>> -> memref<32x128xf32, #tpu.memory_space<hbm>>
        tpu.enqueue_dma source(%dma_start3A_1120 : memref<32x128xf32, #tpu.memory_space<hbm>>) target(%dma_start3A_1118 : memref<32x128xf32, #tpu.memory_space<vmem>>) target_semaphore(%arg13 : memref<!tpu.dma_semaphore, #tpu.memory_space<semaphore_mem>>)
        %slice3A_1121 = vector.extract_strided_slice %get3A_994 {offsets = [6], sizes = [1], strides = [1]} : vector<16xi32> to vector<1xi32>
        %squeeze3A_1122 = vector.extract %slice3A_1121[0] : i32 from vector<1xi32>
        %shift_right_arithmetic3A_1123 = arith.constant 7 : i32
        %shift_right_arithmetic3A_1124 = arith.shrsi %squeeze3A_1122, %shift_right_arithmetic3A_1123 : i32
        %mul3A_1125 = arith.constant 128 : i32
        %mul3A_1126 = arith.muli %shift_right_arithmetic3A_1124, %mul3A_1125 : i32
        %multiple_of3A_1127 = tpu.assume_multiple %mul3A_1126, 128 : i32
        %dma_start3A_1128 = arith.constant 0 : i32
        %dma_start3A_1129 = arith.constant 6 : i32
        %dma_start3A_1130 = arith.constant 0 : i32
        %dma_start3A_1131 = arith.constant 0 : i32
        %dma_start3A_1132 = tpu.memref_slice %arg10[%dma_start3A_1128, %dma_start3A_1129, %dma_start3A_1130, %dma_start3A_1131] : memref<2x8x32x128xf32, #tpu.memory_space<vmem>> -> memref<1x1x32x128xf32, #tpu.memory_space<vmem>>
        %dma_start3A_1133 = tpu.memref_squeeze %dma_start3A_1132 : memref<1x1x32x128xf32, #tpu.memory_space<vmem>> -> memref<32x128xf32, #tpu.memory_space<vmem>>
        %dma_start3A_1134 = arith.constant 0 : i32
        %dma_start3A_1135 = tpu.memref_slice %arg4[%dma_start3A_1134, %multiple_of3A_1127] : memref<32x1000000xf32, #tpu.memory_space<hbm>> -> memref<32x128xf32, #tpu.memory_space<hbm>>
        %dma_start3A_1136 = arith.constant 0 : i32
        %dma_start3A_1137 = arith.constant 0 : i32
        %dma_start3A_1138 = tpu.memref_slice %arg10[%dma_start3A_1128, %dma_start3A_1129, %dma_start3A_1136, %dma_start3A_1137] : memref<2x8x32x128xf32, #tpu.memory_space<vmem>> -> memref<1x1x32x128xf32, #tpu.memory_space<vmem>>
        %dma_start3A_1139 = tpu.memref_squeeze %dma_start3A_1138 : memref<1x1x32x128xf32, #tpu.memory_space<vmem>> -> memref<32x128xf32, #tpu.memory_space<vmem>>
        %dma_start3A_1140 = arith.constant 0 : i32
        %dma_start3A_1141 = tpu.memref_slice %arg4[%dma_start3A_1140, %multiple_of3A_1127] : memref<32x1000000xf32, #tpu.memory_space<hbm>> -> memref<32x128xf32, #tpu.memory_space<hbm>>
        tpu.enqueue_dma source(%dma_start3A_1141 : memref<32x128xf32, #tpu.memory_space<hbm>>) target(%dma_start3A_1139 : memref<32x128xf32, #tpu.memory_space<vmem>>) target_semaphore(%arg13 : memref<!tpu.dma_semaphore, #tpu.memory_space<semaphore_mem>>)
        %slice3A_1142 = vector.extract_strided_slice %get3A_994 {offsets = [7], sizes = [1], strides = [1]} : vector<16xi32> to vector<1xi32>
        %squeeze3A_1143 = vector.extract %slice3A_1142[0] : i32 from vector<1xi32>
        %shift_right_arithmetic3A_1144 = arith.constant 7 : i32
        %shift_right_arithmetic3A_1145 = arith.shrsi %squeeze3A_1143, %shift_right_arithmetic3A_1144 : i32
        %mul3A_1146 = arith.constant 128 : i32
        %mul3A_1147 = arith.muli %shift_right_arithmetic3A_1145, %mul3A_1146 : i32
        %multiple_of3A_1148 = tpu.assume_multiple %mul3A_1147, 128 : i32
        %dma_start3A_1149 = arith.constant 0 : i32
        %dma_start3A_1150 = arith.constant 7 : i32
        %dma_start3A_1151 = arith.constant 0 : i32
        %dma_start3A_1152 = arith.constant 0 : i32
        %dma_start3A_1153 = tpu.memref_slice %arg10[%dma_start3A_1149, %dma_start3A_1150, %dma_start3A_1151, %dma_start3A_1152] : memref<2x8x32x128xf32, #tpu.memory_space<vmem>> -> memref<1x1x32x128xf32, #tpu.memory_space<vmem>>
        %dma_start3A_1154 = tpu.memref_squeeze %dma_start3A_1153 : memref<1x1x32x128xf32, #tpu.memory_space<vmem>> -> memref<32x128xf32, #tpu.memory_space<vmem>>
        %dma_start3A_1155 = arith.constant 0 : i32
        %dma_start3A_1156 = tpu.memref_slice %arg4[%dma_start3A_1155, %multiple_of3A_1148] : memref<32x1000000xf32, #tpu.memory_space<hbm>> -> memref<32x128xf32, #tpu.memory_space<hbm>>
        %dma_start3A_1157 = arith.constant 0 : i32
        %dma_start3A_1158 = arith.constant 0 : i32
        %dma_start3A_1159 = tpu.memref_slice %arg10[%dma_start3A_1149, %dma_start3A_1150, %dma_start3A_1157, %dma_start3A_1158] : memref<2x8x32x128xf32, #tpu.memory_space<vmem>> -> memref<1x1x32x128xf32, #tpu.memory_space<vmem>>
        %dma_start3A_1160 = tpu.memref_squeeze %dma_start3A_1159 : memref<1x1x32x128xf32, #tpu.memory_space<vmem>> -> memref<32x128xf32, #tpu.memory_space<vmem>>
        %dma_start3A_1161 = arith.constant 0 : i32
        %dma_start3A_1162 = tpu.memref_slice %arg4[%dma_start3A_1161, %multiple_of3A_1148] : memref<32x1000000xf32, #tpu.memory_space<hbm>> -> memref<32x128xf32, #tpu.memory_space<hbm>>
        tpu.enqueue_dma source(%dma_start3A_1162 : memref<32x128xf32, #tpu.memory_space<hbm>>) target(%dma_start3A_1160 : memref<32x128xf32, #tpu.memory_space<vmem>>) target_semaphore(%arg13 : memref<!tpu.dma_semaphore, #tpu.memory_space<semaphore_mem>>)
      } else {
      }
      %dma_wait3A_669 = arith.constant 1 : i32
      %dma_wait3A_670 = arith.constant 0 : i32
      %dma_wait3A_671 = arith.constant 0 : i32
      %dma_wait3A_672 = arith.constant 0 : i32
      %dma_wait3A_673 = tpu.memref_slice %arg10[%dma_wait3A_669, %dma_wait3A_670, %dma_wait3A_671, %dma_wait3A_672] : memref<2x8x32x128xf32, #tpu.memory_space<vmem>> -> memref<1x1x32x128xf32, #tpu.memory_space<vmem>>
      %dma_wait3A_674 = tpu.memref_squeeze %dma_wait3A_673 : memref<1x1x32x128xf32, #tpu.memory_space<vmem>> -> memref<32x128xf32, #tpu.memory_space<vmem>>
      %dma_wait3A_675 = arith.constant 0 : i32
      %dma_wait3A_676 = arith.constant 0 : i32
      %dma_wait3A_677 = tpu.memref_slice %arg4[%dma_wait3A_675, %dma_wait3A_676] : memref<32x1000000xf32, #tpu.memory_space<hbm>> -> memref<32x128xf32, #tpu.memory_space<hbm>>
      %dma_wait3A_678 = arith.constant 0 : i32
      %dma_wait3A_679 = arith.constant 0 : i32
      %dma_wait3A_680 = tpu.memref_slice %arg10[%dma_wait3A_669, %dma_wait3A_670, %dma_wait3A_678, %dma_wait3A_679] : memref<2x8x32x128xf32, #tpu.memory_space<vmem>> -> memref<1x1x32x128xf32, #tpu.memory_space<vmem>>
      %dma_wait3A_681 = tpu.memref_squeeze %dma_wait3A_680 : memref<1x1x32x128xf32, #tpu.memory_space<vmem>> -> memref<32x128xf32, #tpu.memory_space<vmem>>
      %dma_wait3A_682 = arith.constant 0 : i32
      %dma_wait3A_683 = arith.constant 0 : i32
      %dma_wait3A_684 = tpu.memref_slice %arg4[%dma_wait3A_682, %dma_wait3A_683] : memref<32x1000000xf32, #tpu.memory_space<hbm>> -> memref<32x128xf32, #tpu.memory_space<hbm>>
      tpu.wait_dma2 semaphore(%arg14 : memref<!tpu.dma_semaphore, #tpu.memory_space<semaphore_mem>>) src(%dma_wait3A_684 : memref<32x128xf32, #tpu.memory_space<hbm>>) dst(%dma_wait3A_681 : memref<32x128xf32, #tpu.memory_space<vmem>>)
      %dma_wait3A_685 = arith.constant 1 : i32
      %dma_wait3A_686 = arith.constant 1 : i32
      %dma_wait3A_687 = arith.constant 0 : i32
      %dma_wait3A_688 = arith.constant 0 : i32
      %dma_wait3A_689 = tpu.memref_slice %arg10[%dma_wait3A_685, %dma_wait3A_686, %dma_wait3A_687, %dma_wait3A_688] : memref<2x8x32x128xf32, #tpu.memory_space<vmem>> -> memref<1x1x32x128xf32, #tpu.memory_space<vmem>>
      %dma_wait3A_690 = tpu.memref_squeeze %dma_wait3A_689 : memref<1x1x32x128xf32, #tpu.memory_space<vmem>> -> memref<32x128xf32, #tpu.memory_space<vmem>>
      %dma_wait3A_691 = arith.constant 0 : i32
      %dma_wait3A_692 = arith.constant 0 : i32
      %dma_wait3A_693 = tpu.memref_slice %arg4[%dma_wait3A_691, %dma_wait3A_692] : memref<32x1000000xf32, #tpu.memory_space<hbm>> -> memref<32x128xf32, #tpu.memory_space<hbm>>
      %dma_wait3A_694 = arith.constant 0 : i32
      %dma_wait3A_695 = arith.constant 0 : i32
      %dma_wait3A_696 = tpu.memref_slice %arg10[%dma_wait3A_685, %dma_wait3A_686, %dma_wait3A_694, %dma_wait3A_695] : memref<2x8x32x128xf32, #tpu.memory_space<vmem>> -> memref<1x1x32x128xf32, #tpu.memory_space<vmem>>
      %dma_wait3A_697 = tpu.memref_squeeze %dma_wait3A_696 : memref<1x1x32x128xf32, #tpu.memory_space<vmem>> -> memref<32x128xf32, #tpu.memory_space<vmem>>
      %dma_wait3A_698 = arith.constant 0 : i32
      %dma_wait3A_699 = arith.constant 0 : i32
      %dma_wait3A_700 = tpu.memref_slice %arg4[%dma_wait3A_698, %dma_wait3A_699] : memref<32x1000000xf32, #tpu.memory_space<hbm>> -> memref<32x128xf32, #tpu.memory_space<hbm>>
      tpu.wait_dma2 semaphore(%arg14 : memref<!tpu.dma_semaphore, #tpu.memory_space<semaphore_mem>>) src(%dma_wait3A_700 : memref<32x128xf32, #tpu.memory_space<hbm>>) dst(%dma_wait3A_697 : memref<32x128xf32, #tpu.memory_space<vmem>>)
      %dma_wait3A_701 = arith.constant 1 : i32
      %dma_wait3A_702 = arith.constant 2 : i32
      %dma_wait3A_703 = arith.constant 0 : i32
      %dma_wait3A_704 = arith.constant 0 : i32
      %dma_wait3A_705 = tpu.memref_slice %arg10[%dma_wait3A_701, %dma_wait3A_702, %dma_wait3A_703, %dma_wait3A_704] : memref<2x8x32x128xf32, #tpu.memory_space<vmem>> -> memref<1x1x32x128xf32, #tpu.memory_space<vmem>>
      %dma_wait3A_706 = tpu.memref_squeeze %dma_wait3A_705 : memref<1x1x32x128xf32, #tpu.memory_space<vmem>> -> memref<32x128xf32, #tpu.memory_space<vmem>>
      %dma_wait3A_707 = arith.constant 0 : i32
      %dma_wait3A_708 = arith.constant 0 : i32
      %dma_wait3A_709 = tpu.memref_slice %arg4[%dma_wait3A_707, %dma_wait3A_708] : memref<32x1000000xf32, #tpu.memory_space<hbm>> -> memref<32x128xf32, #tpu.memory_space<hbm>>
      %dma_wait3A_710 = arith.constant 0 : i32
      %dma_wait3A_711 = arith.constant 0 : i32
      %dma_wait3A_712 = tpu.memref_slice %arg10[%dma_wait3A_701, %dma_wait3A_702, %dma_wait3A_710, %dma_wait3A_711] : memref<2x8x32x128xf32, #tpu.memory_space<vmem>> -> memref<1x1x32x128xf32, #tpu.memory_space<vmem>>
      %dma_wait3A_713 = tpu.memref_squeeze %dma_wait3A_712 : memref<1x1x32x128xf32, #tpu.memory_space<vmem>> -> memref<32x128xf32, #tpu.memory_space<vmem>>
      %dma_wait3A_714 = arith.constant 0 : i32
      %dma_wait3A_715 = arith.constant 0 : i32
      %dma_wait3A_716 = tpu.memref_slice %arg4[%dma_wait3A_714, %dma_wait3A_715] : memref<32x1000000xf32, #tpu.memory_space<hbm>> -> memref<32x128xf32, #tpu.memory_space<hbm>>
      tpu.wait_dma2 semaphore(%arg14 : memref<!tpu.dma_semaphore, #tpu.memory_space<semaphore_mem>>) src(%dma_wait3A_716 : memref<32x128xf32, #tpu.memory_space<hbm>>) dst(%dma_wait3A_713 : memref<32x128xf32, #tpu.memory_space<vmem>>)
      %dma_wait3A_717 = arith.constant 1 : i32
      %dma_wait3A_718 = arith.constant 3 : i32
      %dma_wait3A_719 = arith.constant 0 : i32
      %dma_wait3A_720 = arith.constant 0 : i32
      %dma_wait3A_721 = tpu.memref_slice %arg10[%dma_wait3A_717, %dma_wait3A_718, %dma_wait3A_719, %dma_wait3A_720] : memref<2x8x32x128xf32, #tpu.memory_space<vmem>> -> memref<1x1x32x128xf32, #tpu.memory_space<vmem>>
      %dma_wait3A_722 = tpu.memref_squeeze %dma_wait3A_721 : memref<1x1x32x128xf32, #tpu.memory_space<vmem>> -> memref<32x128xf32, #tpu.memory_space<vmem>>
      %dma_wait3A_723 = arith.constant 0 : i32
      %dma_wait3A_724 = arith.constant 0 : i32
      %dma_wait3A_725 = tpu.memref_slice %arg4[%dma_wait3A_723, %dma_wait3A_724] : memref<32x1000000xf32, #tpu.memory_space<hbm>> -> memref<32x128xf32, #tpu.memory_space<hbm>>
      %dma_wait3A_726 = arith.constant 0 : i32
      %dma_wait3A_727 = arith.constant 0 : i32
      %dma_wait3A_728 = tpu.memref_slice %arg10[%dma_wait3A_717, %dma_wait3A_718, %dma_wait3A_726, %dma_wait3A_727] : memref<2x8x32x128xf32, #tpu.memory_space<vmem>> -> memref<1x1x32x128xf32, #tpu.memory_space<vmem>>
      %dma_wait3A_729 = tpu.memref_squeeze %dma_wait3A_728 : memref<1x1x32x128xf32, #tpu.memory_space<vmem>> -> memref<32x128xf32, #tpu.memory_space<vmem>>
      %dma_wait3A_730 = arith.constant 0 : i32
      %dma_wait3A_731 = arith.constant 0 : i32
      %dma_wait3A_732 = tpu.memref_slice %arg4[%dma_wait3A_730, %dma_wait3A_731] : memref<32x1000000xf32, #tpu.memory_space<hbm>> -> memref<32x128xf32, #tpu.memory_space<hbm>>
      tpu.wait_dma2 semaphore(%arg14 : memref<!tpu.dma_semaphore, #tpu.memory_space<semaphore_mem>>) src(%dma_wait3A_732 : memref<32x128xf32, #tpu.memory_space<hbm>>) dst(%dma_wait3A_729 : memref<32x128xf32, #tpu.memory_space<vmem>>)
      %dma_wait3A_733 = arith.constant 1 : i32
      %dma_wait3A_734 = arith.constant 4 : i32
      %dma_wait3A_735 = arith.constant 0 : i32
      %dma_wait3A_736 = arith.constant 0 : i32
      %dma_wait3A_737 = tpu.memref_slice %arg10[%dma_wait3A_733, %dma_wait3A_734, %dma_wait3A_735, %dma_wait3A_736] : memref<2x8x32x128xf32, #tpu.memory_space<vmem>> -> memref<1x1x32x128xf32, #tpu.memory_space<vmem>>
      %dma_wait3A_738 = tpu.memref_squeeze %dma_wait3A_737 : memref<1x1x32x128xf32, #tpu.memory_space<vmem>> -> memref<32x128xf32, #tpu.memory_space<vmem>>
      %dma_wait3A_739 = arith.constant 0 : i32
      %dma_wait3A_740 = arith.constant 0 : i32
      %dma_wait3A_741 = tpu.memref_slice %arg4[%dma_wait3A_739, %dma_wait3A_740] : memref<32x1000000xf32, #tpu.memory_space<hbm>> -> memref<32x128xf32, #tpu.memory_space<hbm>>
      %dma_wait3A_742 = arith.constant 0 : i32
      %dma_wait3A_743 = arith.constant 0 : i32
      %dma_wait3A_744 = tpu.memref_slice %arg10[%dma_wait3A_733, %dma_wait3A_734, %dma_wait3A_742, %dma_wait3A_743] : memref<2x8x32x128xf32, #tpu.memory_space<vmem>> -> memref<1x1x32x128xf32, #tpu.memory_space<vmem>>
      %dma_wait3A_745 = tpu.memref_squeeze %dma_wait3A_744 : memref<1x1x32x128xf32, #tpu.memory_space<vmem>> -> memref<32x128xf32, #tpu.memory_space<vmem>>
      %dma_wait3A_746 = arith.constant 0 : i32
      %dma_wait3A_747 = arith.constant 0 : i32
      %dma_wait3A_748 = tpu.memref_slice %arg4[%dma_wait3A_746, %dma_wait3A_747] : memref<32x1000000xf32, #tpu.memory_space<hbm>> -> memref<32x128xf32, #tpu.memory_space<hbm>>
      tpu.wait_dma2 semaphore(%arg14 : memref<!tpu.dma_semaphore, #tpu.memory_space<semaphore_mem>>) src(%dma_wait3A_748 : memref<32x128xf32, #tpu.memory_space<hbm>>) dst(%dma_wait3A_745 : memref<32x128xf32, #tpu.memory_space<vmem>>)
      %dma_wait3A_749 = arith.constant 1 : i32
      %dma_wait3A_750 = arith.constant 5 : i32
      %dma_wait3A_751 = arith.constant 0 : i32
      %dma_wait3A_752 = arith.constant 0 : i32
      %dma_wait3A_753 = tpu.memref_slice %arg10[%dma_wait3A_749, %dma_wait3A_750, %dma_wait3A_751, %dma_wait3A_752] : memref<2x8x32x128xf32, #tpu.memory_space<vmem>> -> memref<1x1x32x128xf32, #tpu.memory_space<vmem>>
      %dma_wait3A_754 = tpu.memref_squeeze %dma_wait3A_753 : memref<1x1x32x128xf32, #tpu.memory_space<vmem>> -> memref<32x128xf32, #tpu.memory_space<vmem>>
      %dma_wait3A_755 = arith.constant 0 : i32
      %dma_wait3A_756 = arith.constant 0 : i32
      %dma_wait3A_757 = tpu.memref_slice %arg4[%dma_wait3A_755, %dma_wait3A_756] : memref<32x1000000xf32, #tpu.memory_space<hbm>> -> memref<32x128xf32, #tpu.memory_space<hbm>>
      %dma_wait3A_758 = arith.constant 0 : i32
      %dma_wait3A_759 = arith.constant 0 : i32
      %dma_wait3A_760 = tpu.memref_slice %arg10[%dma_wait3A_749, %dma_wait3A_750, %dma_wait3A_758, %dma_wait3A_759] : memref<2x8x32x128xf32, #tpu.memory_space<vmem>> -> memref<1x1x32x128xf32, #tpu.memory_space<vmem>>
      %dma_wait3A_761 = tpu.memref_squeeze %dma_wait3A_760 : memref<1x1x32x128xf32, #tpu.memory_space<vmem>> -> memref<32x128xf32, #tpu.memory_space<vmem>>
      %dma_wait3A_762 = arith.constant 0 : i32
      %dma_wait3A_763 = arith.constant 0 : i32
      %dma_wait3A_764 = tpu.memref_slice %arg4[%dma_wait3A_762, %dma_wait3A_763] : memref<32x1000000xf32, #tpu.memory_space<hbm>> -> memref<32x128xf32, #tpu.memory_space<hbm>>
      tpu.wait_dma2 semaphore(%arg14 : memref<!tpu.dma_semaphore, #tpu.memory_space<semaphore_mem>>) src(%dma_wait3A_764 : memref<32x128xf32, #tpu.memory_space<hbm>>) dst(%dma_wait3A_761 : memref<32x128xf32, #tpu.memory_space<vmem>>)
      %dma_wait3A_765 = arith.constant 1 : i32
      %dma_wait3A_766 = arith.constant 6 : i32
      %dma_wait3A_767 = arith.constant 0 : i32
      %dma_wait3A_768 = arith.constant 0 : i32
      %dma_wait3A_769 = tpu.memref_slice %arg10[%dma_wait3A_765, %dma_wait3A_766, %dma_wait3A_767, %dma_wait3A_768] : memref<2x8x32x128xf32, #tpu.memory_space<vmem>> -> memref<1x1x32x128xf32, #tpu.memory_space<vmem>>
      %dma_wait3A_770 = tpu.memref_squeeze %dma_wait3A_769 : memref<1x1x32x128xf32, #tpu.memory_space<vmem>> -> memref<32x128xf32, #tpu.memory_space<vmem>>
      %dma_wait3A_771 = arith.constant 0 : i32
      %dma_wait3A_772 = arith.constant 0 : i32
      %dma_wait3A_773 = tpu.memref_slice %arg4[%dma_wait3A_771, %dma_wait3A_772] : memref<32x1000000xf32, #tpu.memory_space<hbm>> -> memref<32x128xf32, #tpu.memory_space<hbm>>
      %dma_wait3A_774 = arith.constant 0 : i32
      %dma_wait3A_775 = arith.constant 0 : i32
      %dma_wait3A_776 = tpu.memref_slice %arg10[%dma_wait3A_765, %dma_wait3A_766, %dma_wait3A_774, %dma_wait3A_775] : memref<2x8x32x128xf32, #tpu.memory_space<vmem>> -> memref<1x1x32x128xf32, #tpu.memory_space<vmem>>
      %dma_wait3A_777 = tpu.memref_squeeze %dma_wait3A_776 : memref<1x1x32x128xf32, #tpu.memory_space<vmem>> -> memref<32x128xf32, #tpu.memory_space<vmem>>
      %dma_wait3A_778 = arith.constant 0 : i32
      %dma_wait3A_779 = arith.constant 0 : i32
      %dma_wait3A_780 = tpu.memref_slice %arg4[%dma_wait3A_778, %dma_wait3A_779] : memref<32x1000000xf32, #tpu.memory_space<hbm>> -> memref<32x128xf32, #tpu.memory_space<hbm>>
      tpu.wait_dma2 semaphore(%arg14 : memref<!tpu.dma_semaphore, #tpu.memory_space<semaphore_mem>>) src(%dma_wait3A_780 : memref<32x128xf32, #tpu.memory_space<hbm>>) dst(%dma_wait3A_777 : memref<32x128xf32, #tpu.memory_space<vmem>>)
      %dma_wait3A_781 = arith.constant 1 : i32
      %dma_wait3A_782 = arith.constant 7 : i32
      %dma_wait3A_783 = arith.constant 0 : i32
      %dma_wait3A_784 = arith.constant 0 : i32
      %dma_wait3A_785 = tpu.memref_slice %arg10[%dma_wait3A_781, %dma_wait3A_782, %dma_wait3A_783, %dma_wait3A_784] : memref<2x8x32x128xf32, #tpu.memory_space<vmem>> -> memref<1x1x32x128xf32, #tpu.memory_space<vmem>>
      %dma_wait3A_786 = tpu.memref_squeeze %dma_wait3A_785 : memref<1x1x32x128xf32, #tpu.memory_space<vmem>> -> memref<32x128xf32, #tpu.memory_space<vmem>>
      %dma_wait3A_787 = arith.constant 0 : i32
      %dma_wait3A_788 = arith.constant 0 : i32
      %dma_wait3A_789 = tpu.memref_slice %arg4[%dma_wait3A_787, %dma_wait3A_788] : memref<32x1000000xf32, #tpu.memory_space<hbm>> -> memref<32x128xf32, #tpu.memory_space<hbm>>
      %dma_wait3A_790 = arith.constant 0 : i32
      %dma_wait3A_791 = arith.constant 0 : i32
      %dma_wait3A_792 = tpu.memref_slice %arg10[%dma_wait3A_781, %dma_wait3A_782, %dma_wait3A_790, %dma_wait3A_791] : memref<2x8x32x128xf32, #tpu.memory_space<vmem>> -> memref<1x1x32x128xf32, #tpu.memory_space<vmem>>
      %dma_wait3A_793 = tpu.memref_squeeze %dma_wait3A_792 : memref<1x1x32x128xf32, #tpu.memory_space<vmem>> -> memref<32x128xf32, #tpu.memory_space<vmem>>
      %dma_wait3A_794 = arith.constant 0 : i32
      %dma_wait3A_795 = arith.constant 0 : i32
      %dma_wait3A_796 = tpu.memref_slice %arg4[%dma_wait3A_794, %dma_wait3A_795] : memref<32x1000000xf32, #tpu.memory_space<hbm>> -> memref<32x128xf32, #tpu.memory_space<hbm>>
      tpu.wait_dma2 semaphore(%arg14 : memref<!tpu.dma_semaphore, #tpu.memory_space<semaphore_mem>>) src(%dma_wait3A_796 : memref<32x128xf32, #tpu.memory_space<hbm>>) dst(%dma_wait3A_793 : memref<32x128xf32, #tpu.memory_space<vmem>>)
      %slice3A_797 = vector.extract_strided_slice %get3A_182 {offsets = [0], sizes = [1], strides = [1]} : vector<16xi32> to vector<1xi32>
      %squeeze3A_798 = vector.extract %slice3A_797[0] : i32 from vector<1xi32>
      %and3A_799 = arith.constant 127 : i32
      %and3A_800 = arith.andi %squeeze3A_798, %and3A_799 : i32
      %broadcast_in_dim3A_801 = vector.broadcast %and3A_800 : i32 to vector<16xi32>
      %mul3A_802 = arith.constant 8 : i32
      %mul3A_803 = arith.muli %scan3A_174, %mul3A_802 : i32
      %add3A_804 = arith.constant 0 : i32
      %add3A_805 = arith.addi %mul3A_803, %add3A_804 : i32
      %broadcast_in_dim3A_806 = vector.broadcast %add3A_805 : i32 to vector<16xi32>
      %gather3A_807 = arith.constant 1 : i32
      %gather3A_808 = arith.constant 0 : i32
      %gather3A_809 = arith.constant 0 : i32
      %gather3A_810 = arith.constant 0 : i32
      %gather3A_811 = tpu.memref_slice %arg10[%gather3A_807, %gather3A_808, %gather3A_809, %gather3A_810] : memref<2x8x32x128xf32, #tpu.memory_space<vmem>> -> memref<1x1x32x128xf32, #tpu.memory_space<vmem>>
      %gather3A_812 = tpu.memref_squeeze %gather3A_811 : memref<1x1x32x128xf32, #tpu.memory_space<vmem>> -> memref<32x128xf32, #tpu.memory_space<vmem>>
      %gather3A_813 = tpu.vector_load_idx %gather3A_812[%iota3A, %broadcast_in_dim3A_801] : memref<32x128xf32, #tpu.memory_space<vmem>>[vector<16xi32>, vector<16xi32>], vector<16xf32>,
      %gather3A_814 = arith.constant 1 : i32
      %gather3A_815 = arith.constant 0 : i32
      %gather3A_816 = arith.constant 0 : i32
      %gather3A_817 = arith.constant 0 : i32
      %gather3A_818 = tpu.memref_slice %arg10[%gather3A_814, %gather3A_815, %gather3A_816, %gather3A_817] : memref<2x8x32x128xf32, #tpu.memory_space<vmem>> -> memref<1x1x32x128xf32, #tpu.memory_space<vmem>>
      %gather3A_819 = tpu.memref_squeeze %gather3A_818 : memref<1x1x32x128xf32, #tpu.memory_space<vmem>> -> memref<32x128xf32, #tpu.memory_space<vmem>>
      %gather3A_820 = tpu.vector_load_idx %gather3A_819[%add3A_5, %broadcast_in_dim3A_801] : memref<32x128xf32, #tpu.memory_space<vmem>>[vector<16xi32>, vector<16xi32>], vector<16xf32>,
      tpu.vector_store_idx %arg12[%iota3A, %broadcast_in_dim3A_806], %gather3A_813 : memref<32x128xf32, #tpu.memory_space<vmem>>[vector<16xi32>, vector<16xi32>], vector<16xf32>,
      tpu.vector_store_idx %arg12[%add3A_5, %broadcast_in_dim3A_806], %gather3A_820 : memref<32x128xf32, #tpu.memory_space<vmem>>[vector<16xi32>, vector<16xi32>], vector<16xf32>,
      %slice3A_821 = vector.extract_strided_slice %get3A_182 {offsets = [1], sizes = [1], strides = [1]} : vector<16xi32> to vector<1xi32>
      %squeeze3A_822 = vector.extract %slice3A_821[0] : i32 from vector<1xi32>
      %and3A_823 = arith.constant 127 : i32
      %and3A_824 = arith.andi %squeeze3A_822, %and3A_823 : i32
      %broadcast_in_dim3A_825 = vector.broadcast %and3A_824 : i32 to vector<16xi32>
      %mul3A_826 = arith.constant 8 : i32
      %mul3A_827 = arith.muli %scan3A_174, %mul3A_826 : i32
      %add3A_828 = arith.constant 1 : i32
      %add3A_829 = arith.addi %mul3A_827, %add3A_828 : i32
      %broadcast_in_dim3A_830 = vector.broadcast %add3A_829 : i32 to vector<16xi32>
      %gather3A_831 = arith.constant 1 : i32
      %gather3A_832 = arith.constant 1 : i32
      %gather3A_833 = arith.constant 0 : i32
      %gather3A_834 = arith.constant 0 : i32
      %gather3A_835 = tpu.memref_slice %arg10[%gather3A_831, %gather3A_832, %gather3A_833, %gather3A_834] : memref<2x8x32x128xf32, #tpu.memory_space<vmem>> -> memref<1x1x32x128xf32, #tpu.memory_space<vmem>>
      %gather3A_836 = tpu.memref_squeeze %gather3A_835 : memref<1x1x32x128xf32, #tpu.memory_space<vmem>> -> memref<32x128xf32, #tpu.memory_space<vmem>>
      %gather3A_837 = tpu.vector_load_idx %gather3A_836[%iota3A, %broadcast_in_dim3A_825] : memref<32x128xf32, #tpu.memory_space<vmem>>[vector<16xi32>, vector<16xi32>], vector<16xf32>,
      %gather3A_838 = arith.constant 1 : i32
      %gather3A_839 = arith.constant 1 : i32
      %gather3A_840 = arith.constant 0 : i32
      %gather3A_841 = arith.constant 0 : i32
      %gather3A_842 = tpu.memref_slice %arg10[%gather3A_838, %gather3A_839, %gather3A_840, %gather3A_841] : memref<2x8x32x128xf32, #tpu.memory_space<vmem>> -> memref<1x1x32x128xf32, #tpu.memory_space<vmem>>
      %gather3A_843 = tpu.memref_squeeze %gather3A_842 : memref<1x1x32x128xf32, #tpu.memory_space<vmem>> -> memref<32x128xf32, #tpu.memory_space<vmem>>
      %gather3A_844 = tpu.vector_load_idx %gather3A_843[%add3A_5, %broadcast_in_dim3A_825] : memref<32x128xf32, #tpu.memory_space<vmem>>[vector<16xi32>, vector<16xi32>], vector<16xf32>,
      tpu.vector_store_idx %arg12[%iota3A, %broadcast_in_dim3A_830], %gather3A_837 : memref<32x128xf32, #tpu.memory_space<vmem>>[vector<16xi32>, vector<16xi32>], vector<16xf32>,
      tpu.vector_store_idx %arg12[%add3A_5, %broadcast_in_dim3A_830], %gather3A_844 : memref<32x128xf32, #tpu.memory_space<vmem>>[vector<16xi32>, vector<16xi32>], vector<16xf32>,
      %slice3A_845 = vector.extract_strided_slice %get3A_182 {offsets = [2], sizes = [1], strides = [1]} : vector<16xi32> to vector<1xi32>
      %squeeze3A_846 = vector.extract %slice3A_845[0] : i32 from vector<1xi32>
      %and3A_847 = arith.constant 127 : i32
      %and3A_848 = arith.andi %squeeze3A_846, %and3A_847 : i32
      %broadcast_in_dim3A_849 = vector.broadcast %and3A_848 : i32 to vector<16xi32>
      %mul3A_850 = arith.constant 8 : i32
      %mul3A_851 = arith.muli %scan3A_174, %mul3A_850 : i32
      %add3A_852 = arith.constant 2 : i32
      %add3A_853 = arith.addi %mul3A_851, %add3A_852 : i32
      %broadcast_in_dim3A_854 = vector.broadcast %add3A_853 : i32 to vector<16xi32>
      %gather3A_855 = arith.constant 1 : i32
      %gather3A_856 = arith.constant 2 : i32
      %gather3A_857 = arith.constant 0 : i32
      %gather3A_858 = arith.constant 0 : i32
      %gather3A_859 = tpu.memref_slice %arg10[%gather3A_855, %gather3A_856, %gather3A_857, %gather3A_858] : memref<2x8x32x128xf32, #tpu.memory_space<vmem>> -> memref<1x1x32x128xf32, #tpu.memory_space<vmem>>
      %gather3A_860 = tpu.memref_squeeze %gather3A_859 : memref<1x1x32x128xf32, #tpu.memory_space<vmem>> -> memref<32x128xf32, #tpu.memory_space<vmem>>
      %gather3A_861 = tpu.vector_load_idx %gather3A_860[%iota3A, %broadcast_in_dim3A_849] : memref<32x128xf32, #tpu.memory_space<vmem>>[vector<16xi32>, vector<16xi32>], vector<16xf32>,
      %gather3A_862 = arith.constant 1 : i32
      %gather3A_863 = arith.constant 2 : i32
      %gather3A_864 = arith.constant 0 : i32
      %gather3A_865 = arith.constant 0 : i32
      %gather3A_866 = tpu.memref_slice %arg10[%gather3A_862, %gather3A_863, %gather3A_864, %gather3A_865] : memref<2x8x32x128xf32, #tpu.memory_space<vmem>> -> memref<1x1x32x128xf32, #tpu.memory_space<vmem>>
      %gather3A_867 = tpu.memref_squeeze %gather3A_866 : memref<1x1x32x128xf32, #tpu.memory_space<vmem>> -> memref<32x128xf32, #tpu.memory_space<vmem>>
      %gather3A_868 = tpu.vector_load_idx %gather3A_867[%add3A_5, %broadcast_in_dim3A_849] : memref<32x128xf32, #tpu.memory_space<vmem>>[vector<16xi32>, vector<16xi32>], vector<16xf32>,
      tpu.vector_store_idx %arg12[%iota3A, %broadcast_in_dim3A_854], %gather3A_861 : memref<32x128xf32, #tpu.memory_space<vmem>>[vector<16xi32>, vector<16xi32>], vector<16xf32>,
      tpu.vector_store_idx %arg12[%add3A_5, %broadcast_in_dim3A_854], %gather3A_868 : memref<32x128xf32, #tpu.memory_space<vmem>>[vector<16xi32>, vector<16xi32>], vector<16xf32>,
      %slice3A_869 = vector.extract_strided_slice %get3A_182 {offsets = [3], sizes = [1], strides = [1]} : vector<16xi32> to vector<1xi32>
      %squeeze3A_870 = vector.extract %slice3A_869[0] : i32 from vector<1xi32>
      %and3A_871 = arith.constant 127 : i32
      %and3A_872 = arith.andi %squeeze3A_870, %and3A_871 : i32
      %broadcast_in_dim3A_873 = vector.broadcast %and3A_872 : i32 to vector<16xi32>
      %mul3A_874 = arith.constant 8 : i32
      %mul3A_875 = arith.muli %scan3A_174, %mul3A_874 : i32
      %add3A_876 = arith.constant 3 : i32
      %add3A_877 = arith.addi %mul3A_875, %add3A_876 : i32
      %broadcast_in_dim3A_878 = vector.broadcast %add3A_877 : i32 to vector<16xi32>
      %gather3A_879 = arith.constant 1 : i32
      %gather3A_880 = arith.constant 3 : i32
      %gather3A_881 = arith.constant 0 : i32
      %gather3A_882 = arith.constant 0 : i32
      %gather3A_883 = tpu.memref_slice %arg10[%gather3A_879, %gather3A_880, %gather3A_881, %gather3A_882] : memref<2x8x32x128xf32, #tpu.memory_space<vmem>> -> memref<1x1x32x128xf32, #tpu.memory_space<vmem>>
      %gather3A_884 = tpu.memref_squeeze %gather3A_883 : memref<1x1x32x128xf32, #tpu.memory_space<vmem>> -> memref<32x128xf32, #tpu.memory_space<vmem>>
      %gather3A_885 = tpu.vector_load_idx %gather3A_884[%iota3A, %broadcast_in_dim3A_873] : memref<32x128xf32, #tpu.memory_space<vmem>>[vector<16xi32>, vector<16xi32>], vector<16xf32>,
      %gather3A_886 = arith.constant 1 : i32
      %gather3A_887 = arith.constant 3 : i32
      %gather3A_888 = arith.constant 0 : i32
      %gather3A_889 = arith.constant 0 : i32
      %gather3A_890 = tpu.memref_slice %arg10[%gather3A_886, %gather3A_887, %gather3A_888, %gather3A_889] : memref<2x8x32x128xf32, #tpu.memory_space<vmem>> -> memref<1x1x32x128xf32, #tpu.memory_space<vmem>>
      %gather3A_891 = tpu.memref_squeeze %gather3A_890 : memref<1x1x32x128xf32, #tpu.memory_space<vmem>> -> memref<32x128xf32, #tpu.memory_space<vmem>>
      %gather3A_892 = tpu.vector_load_idx %gather3A_891[%add3A_5, %broadcast_in_dim3A_873] : memref<32x128xf32, #tpu.memory_space<vmem>>[vector<16xi32>, vector<16xi32>], vector<16xf32>,
      tpu.vector_store_idx %arg12[%iota3A, %broadcast_in_dim3A_878], %gather3A_885 : memref<32x128xf32, #tpu.memory_space<vmem>>[vector<16xi32>, vector<16xi32>], vector<16xf32>,
      tpu.vector_store_idx %arg12[%add3A_5, %broadcast_in_dim3A_878], %gather3A_892 : memref<32x128xf32, #tpu.memory_space<vmem>>[vector<16xi32>, vector<16xi32>], vector<16xf32>,
      %slice3A_893 = vector.extract_strided_slice %get3A_182 {offsets = [4], sizes = [1], strides = [1]} : vector<16xi32> to vector<1xi32>
      %squeeze3A_894 = vector.extract %slice3A_893[0] : i32 from vector<1xi32>
      %and3A_895 = arith.constant 127 : i32
      %and3A_896 = arith.andi %squeeze3A_894, %and3A_895 : i32
      %broadcast_in_dim3A_897 = vector.broadcast %and3A_896 : i32 to vector<16xi32>
      %mul3A_898 = arith.constant 8 : i32
      %mul3A_899 = arith.muli %scan3A_174, %mul3A_898 : i32
      %add3A_900 = arith.constant 4 : i32
      %add3A_901 = arith.addi %mul3A_899, %add3A_900 : i32
      %broadcast_in_dim3A_902 = vector.broadcast %add3A_901 : i32 to vector<16xi32>
      %gather3A_903 = arith.constant 1 : i32
      %gather3A_904 = arith.constant 4 : i32
      %gather3A_905 = arith.constant 0 : i32
      %gather3A_906 = arith.constant 0 : i32
      %gather3A_907 = tpu.memref_slice %arg10[%gather3A_903, %gather3A_904, %gather3A_905, %gather3A_906] : memref<2x8x32x128xf32, #tpu.memory_space<vmem>> -> memref<1x1x32x128xf32, #tpu.memory_space<vmem>>
      %gather3A_908 = tpu.memref_squeeze %gather3A_907 : memref<1x1x32x128xf32, #tpu.memory_space<vmem>> -> memref<32x128xf32, #tpu.memory_space<vmem>>
      %gather3A_909 = tpu.vector_load_idx %gather3A_908[%iota3A, %broadcast_in_dim3A_897] : memref<32x128xf32, #tpu.memory_space<vmem>>[vector<16xi32>, vector<16xi32>], vector<16xf32>,
      %gather3A_910 = arith.constant 1 : i32
      %gather3A_911 = arith.constant 4 : i32
      %gather3A_912 = arith.constant 0 : i32
      %gather3A_913 = arith.constant 0 : i32
      %gather3A_914 = tpu.memref_slice %arg10[%gather3A_910, %gather3A_911, %gather3A_912, %gather3A_913] : memref<2x8x32x128xf32, #tpu.memory_space<vmem>> -> memref<1x1x32x128xf32, #tpu.memory_space<vmem>>
      %gather3A_915 = tpu.memref_squeeze %gather3A_914 : memref<1x1x32x128xf32, #tpu.memory_space<vmem>> -> memref<32x128xf32, #tpu.memory_space<vmem>>
      %gather3A_916 = tpu.vector_load_idx %gather3A_915[%add3A_5, %broadcast_in_dim3A_897] : memref<32x128xf32, #tpu.memory_space<vmem>>[vector<16xi32>, vector<16xi32>], vector<16xf32>,
      tpu.vector_store_idx %arg12[%iota3A, %broadcast_in_dim3A_902], %gather3A_909 : memref<32x128xf32, #tpu.memory_space<vmem>>[vector<16xi32>, vector<16xi32>], vector<16xf32>,
      tpu.vector_store_idx %arg12[%add3A_5, %broadcast_in_dim3A_902], %gather3A_916 : memref<32x128xf32, #tpu.memory_space<vmem>>[vector<16xi32>, vector<16xi32>], vector<16xf32>,
      %slice3A_917 = vector.extract_strided_slice %get3A_182 {offsets = [5], sizes = [1], strides = [1]} : vector<16xi32> to vector<1xi32>
      %squeeze3A_918 = vector.extract %slice3A_917[0] : i32 from vector<1xi32>
      %and3A_919 = arith.constant 127 : i32
      %and3A_920 = arith.andi %squeeze3A_918, %and3A_919 : i32
      %broadcast_in_dim3A_921 = vector.broadcast %and3A_920 : i32 to vector<16xi32>
      %mul3A_922 = arith.constant 8 : i32
      %mul3A_923 = arith.muli %scan3A_174, %mul3A_922 : i32
      %add3A_924 = arith.constant 5 : i32
      %add3A_925 = arith.addi %mul3A_923, %add3A_924 : i32
      %broadcast_in_dim3A_926 = vector.broadcast %add3A_925 : i32 to vector<16xi32>
      %gather3A_927 = arith.constant 1 : i32
      %gather3A_928 = arith.constant 5 : i32
      %gather3A_929 = arith.constant 0 : i32
      %gather3A_930 = arith.constant 0 : i32
      %gather3A_931 = tpu.memref_slice %arg10[%gather3A_927, %gather3A_928, %gather3A_929, %gather3A_930] : memref<2x8x32x128xf32, #tpu.memory_space<vmem>> -> memref<1x1x32x128xf32, #tpu.memory_space<vmem>>
      %gather3A_932 = tpu.memref_squeeze %gather3A_931 : memref<1x1x32x128xf32, #tpu.memory_space<vmem>> -> memref<32x128xf32, #tpu.memory_space<vmem>>
      %gather3A_933 = tpu.vector_load_idx %gather3A_932[%iota3A, %broadcast_in_dim3A_921] : memref<32x128xf32, #tpu.memory_space<vmem>>[vector<16xi32>, vector<16xi32>], vector<16xf32>,
      %gather3A_934 = arith.constant 1 : i32
      %gather3A_935 = arith.constant 5 : i32
      %gather3A_936 = arith.constant 0 : i32
      %gather3A_937 = arith.constant 0 : i32
      %gather3A_938 = tpu.memref_slice %arg10[%gather3A_934, %gather3A_935, %gather3A_936, %gather3A_937] : memref<2x8x32x128xf32, #tpu.memory_space<vmem>> -> memref<1x1x32x128xf32, #tpu.memory_space<vmem>>
      %gather3A_939 = tpu.memref_squeeze %gather3A_938 : memref<1x1x32x128xf32, #tpu.memory_space<vmem>> -> memref<32x128xf32, #tpu.memory_space<vmem>>
      %gather3A_940 = tpu.vector_load_idx %gather3A_939[%add3A_5, %broadcast_in_dim3A_921] : memref<32x128xf32, #tpu.memory_space<vmem>>[vector<16xi32>, vector<16xi32>], vector<16xf32>,
      tpu.vector_store_idx %arg12[%iota3A, %broadcast_in_dim3A_926], %gather3A_933 : memref<32x128xf32, #tpu.memory_space<vmem>>[vector<16xi32>, vector<16xi32>], vector<16xf32>,
      tpu.vector_store_idx %arg12[%add3A_5, %broadcast_in_dim3A_926], %gather3A_940 : memref<32x128xf32, #tpu.memory_space<vmem>>[vector<16xi32>, vector<16xi32>], vector<16xf32>,
      %slice3A_941 = vector.extract_strided_slice %get3A_182 {offsets = [6], sizes = [1], strides = [1]} : vector<16xi32> to vector<1xi32>
      %squeeze3A_942 = vector.extract %slice3A_941[0] : i32 from vector<1xi32>
      %and3A_943 = arith.constant 127 : i32
      %and3A_944 = arith.andi %squeeze3A_942, %and3A_943 : i32
      %broadcast_in_dim3A_945 = vector.broadcast %and3A_944 : i32 to vector<16xi32>
      %mul3A_946 = arith.constant 8 : i32
      %mul3A_947 = arith.muli %scan3A_174, %mul3A_946 : i32
      %add3A_948 = arith.constant 6 : i32
      %add3A_949 = arith.addi %mul3A_947, %add3A_948 : i32
      %broadcast_in_dim3A_950 = vector.broadcast %add3A_949 : i32 to vector<16xi32>
      %gather3A_951 = arith.constant 1 : i32
      %gather3A_952 = arith.constant 6 : i32
      %gather3A_953 = arith.constant 0 : i32
      %gather3A_954 = arith.constant 0 : i32
      %gather3A_955 = tpu.memref_slice %arg10[%gather3A_951, %gather3A_952, %gather3A_953, %gather3A_954] : memref<2x8x32x128xf32, #tpu.memory_space<vmem>> -> memref<1x1x32x128xf32, #tpu.memory_space<vmem>>
      %gather3A_956 = tpu.memref_squeeze %gather3A_955 : memref<1x1x32x128xf32, #tpu.memory_space<vmem>> -> memref<32x128xf32, #tpu.memory_space<vmem>>
      %gather3A_957 = tpu.vector_load_idx %gather3A_956[%iota3A, %broadcast_in_dim3A_945] : memref<32x128xf32, #tpu.memory_space<vmem>>[vector<16xi32>, vector<16xi32>], vector<16xf32>,
      %gather3A_958 = arith.constant 1 : i32
      %gather3A_959 = arith.constant 6 : i32
      %gather3A_960 = arith.constant 0 : i32
      %gather3A_961 = arith.constant 0 : i32
      %gather3A_962 = tpu.memref_slice %arg10[%gather3A_958, %gather3A_959, %gather3A_960, %gather3A_961] : memref<2x8x32x128xf32, #tpu.memory_space<vmem>> -> memref<1x1x32x128xf32, #tpu.memory_space<vmem>>
      %gather3A_963 = tpu.memref_squeeze %gather3A_962 : memref<1x1x32x128xf32, #tpu.memory_space<vmem>> -> memref<32x128xf32, #tpu.memory_space<vmem>>
      %gather3A_964 = tpu.vector_load_idx %gather3A_963[%add3A_5, %broadcast_in_dim3A_945] : memref<32x128xf32, #tpu.memory_space<vmem>>[vector<16xi32>, vector<16xi32>], vector<16xf32>,
      tpu.vector_store_idx %arg12[%iota3A, %broadcast_in_dim3A_950], %gather3A_957 : memref<32x128xf32, #tpu.memory_space<vmem>>[vector<16xi32>, vector<16xi32>], vector<16xf32>,
      tpu.vector_store_idx %arg12[%add3A_5, %broadcast_in_dim3A_950], %gather3A_964 : memref<32x128xf32, #tpu.memory_space<vmem>>[vector<16xi32>, vector<16xi32>], vector<16xf32>,
      %slice3A_965 = vector.extract_strided_slice %get3A_182 {offsets = [7], sizes = [1], strides = [1]} : vector<16xi32> to vector<1xi32>
      %squeeze3A_966 = vector.extract %slice3A_965[0] : i32 from vector<1xi32>
      %and3A_967 = arith.constant 127 : i32
      %and3A_968 = arith.andi %squeeze3A_966, %and3A_967 : i32
      %broadcast_in_dim3A_969 = vector.broadcast %and3A_968 : i32 to vector<16xi32>
      %mul3A_970 = arith.constant 8 : i32
      %mul3A_971 = arith.muli %scan3A_174, %mul3A_970 : i32
      %add3A_972 = arith.constant 7 : i32
      %add3A_973 = arith.addi %mul3A_971, %add3A_972 : i32
      %broadcast_in_dim3A_974 = vector.broadcast %add3A_973 : i32 to vector<16xi32>
      %gather3A_975 = arith.constant 1 : i32
      %gather3A_976 = arith.constant 7 : i32
      %gather3A_977 = arith.constant 0 : i32
      %gather3A_978 = arith.constant 0 : i32
      %gather3A_979 = tpu.memref_slice %arg10[%gather3A_975, %gather3A_976, %gather3A_977, %gather3A_978] : memref<2x8x32x128xf32, #tpu.memory_space<vmem>> -> memref<1x1x32x128xf32, #tpu.memory_space<vmem>>
      %gather3A_980 = tpu.memref_squeeze %gather3A_979 : memref<1x1x32x128xf32, #tpu.memory_space<vmem>> -> memref<32x128xf32, #tpu.memory_space<vmem>>
      %gather3A_981 = tpu.vector_load_idx %gather3A_980[%iota3A, %broadcast_in_dim3A_969] : memref<32x128xf32, #tpu.memory_space<vmem>>[vector<16xi32>, vector<16xi32>], vector<16xf32>,
      %gather3A_982 = arith.constant 1 : i32
      %gather3A_983 = arith.constant 7 : i32
      %gather3A_984 = arith.constant 0 : i32
      %gather3A_985 = arith.constant 0 : i32
      %gather3A_986 = tpu.memref_slice %arg10[%gather3A_982, %gather3A_983, %gather3A_984, %gather3A_985] : memref<2x8x32x128xf32, #tpu.memory_space<vmem>> -> memref<1x1x32x128xf32, #tpu.memory_space<vmem>>
      %gather3A_987 = tpu.memref_squeeze %gather3A_986 : memref<1x1x32x128xf32, #tpu.memory_space<vmem>> -> memref<32x128xf32, #tpu.memory_space<vmem>>
      %gather3A_988 = tpu.vector_load_idx %gather3A_987[%add3A_5, %broadcast_in_dim3A_969] : memref<32x128xf32, #tpu.memory_space<vmem>>[vector<16xi32>, vector<16xi32>], vector<16xf32>,
      tpu.vector_store_idx %arg12[%iota3A, %broadcast_in_dim3A_974], %gather3A_981 : memref<32x128xf32, #tpu.memory_space<vmem>>[vector<16xi32>, vector<16xi32>], vector<16xf32>,
      tpu.vector_store_idx %arg12[%add3A_5, %broadcast_in_dim3A_974], %gather3A_988 : memref<32x128xf32, #tpu.memory_space<vmem>>[vector<16xi32>, vector<16xi32>], vector<16xf32>,
    }
    %scan3A_173 = arith.constant 16 : i32
    "tpu.region"() ({
      %run_scoped3A = tpu.sem_alloc : memref<!tpu.dma_semaphore, #tpu.memory_space<semaphore_mem>>
      %dma_start3A_174 = arith.constant 0 : i32
      %dma_start3A_175 = tpu.memref_slice %arg6[%dma_start3A_174, %mul3A_2] : memref<32x4096xf32, #tpu.memory_space<hbm>> -> memref<32x128xf32, #tpu.memory_space<hbm>>
      %dma_start3A_176 = arith.constant 0 : i32
      %dma_start3A_177 = tpu.memref_slice %arg6[%dma_start3A_176, %mul3A_2] : memref<32x4096xf32, #tpu.memory_space<hbm>> -> memref<32x128xf32, #tpu.memory_space<hbm>>
      tpu.enqueue_dma source(%arg11 : memref<32x128xf32, #tpu.memory_space<vmem>>) target(%dma_start3A_177 : memref<32x128xf32, #tpu.memory_space<hbm>>) target_semaphore(%run_scoped3A : memref<!tpu.dma_semaphore, #tpu.memory_space<semaphore_mem>>)
      %dma_wait3A = arith.constant 0 : i32
      %dma_wait3A_178 = tpu.memref_slice %arg6[%dma_wait3A, %mul3A_2] : memref<32x4096xf32, #tpu.memory_space<hbm>> -> memref<32x128xf32, #tpu.memory_space<hbm>>
      %dma_wait3A_179 = arith.constant 0 : i32
      %dma_wait3A_180 = tpu.memref_slice %arg6[%dma_wait3A_179, %mul3A_2] : memref<32x4096xf32, #tpu.memory_space<hbm>> -> memref<32x128xf32, #tpu.memory_space<hbm>>
      tpu.wait_dma2 semaphore(%run_scoped3A : memref<!tpu.dma_semaphore, #tpu.memory_space<semaphore_mem>>) src(%arg11 : memref<32x128xf32, #tpu.memory_space<vmem>>) dst(%dma_wait3A_180 : memref<32x128xf32, #tpu.memory_space<hbm>>)
      tpu.yield
    }) : () -> ()
    "tpu.region"() ({
      %run_scoped3A = tpu.sem_alloc : memref<!tpu.dma_semaphore, #tpu.memory_space<semaphore_mem>>
      %dma_start3A_174 = arith.constant 0 : i32
      %dma_start3A_175 = tpu.memref_slice %arg7[%dma_start3A_174, %mul3A_2] : memref<32x4096xf32, #tpu.memory_space<hbm>> -> memref<32x128xf32, #tpu.memory_space<hbm>>
      %dma_start3A_176 = arith.constant 0 : i32
      %dma_start3A_177 = tpu.memref_slice %arg7[%dma_start3A_176, %mul3A_2] : memref<32x4096xf32, #tpu.memory_space<hbm>> -> memref<32x128xf32, #tpu.memory_space<hbm>>
      tpu.enqueue_dma source(%arg12 : memref<32x128xf32, #tpu.memory_space<vmem>>) target(%dma_start3A_177 : memref<32x128xf32, #tpu.memory_space<hbm>>) target_semaphore(%run_scoped3A : memref<!tpu.dma_semaphore, #tpu.memory_space<semaphore_mem>>)
      %dma_wait3A = arith.constant 0 : i32
      %dma_wait3A_178 = tpu.memref_slice %arg7[%dma_wait3A, %mul3A_2] : memref<32x4096xf32, #tpu.memory_space<hbm>> -> memref<32x128xf32, #tpu.memory_space<hbm>>
      %dma_wait3A_179 = arith.constant 0 : i32
      %dma_wait3A_180 = tpu.memref_slice %arg7[%dma_wait3A_179, %mul3A_2] : memref<32x4096xf32, #tpu.memory_space<hbm>> -> memref<32x128xf32, #tpu.memory_space<hbm>>
      tpu.wait_dma2 semaphore(%run_scoped3A : memref<!tpu.dma_semaphore, #tpu.memory_space<semaphore_mem>>) src(%arg12 : memref<32x128xf32, #tpu.memory_space<vmem>>) dst(%dma_wait3A_180 : memref<32x128xf32, #tpu.memory_space<hbm>>)
      tpu.yield
    }) : () -> ()
    return
  }
}

module attributes {stable_mosaic.version = 14 : i64} {
  func.func @_mm_body(%arg0: i32, %arg1: memref<32x512xf32, #tpu.memory_space<vmem>>, %arg2: memref<32x4096xf32, #tpu.memory_space<vmem>>, %arg3: memref<512x4096xf32, #tpu.memory_space<vmem>>) attributes {dimension_semantics = [#tpu.dimension_semantics<arbitrary>], iteration_bounds = array<i64: 8>, scalar_prefetch = 0 : i64, scratch_operands = 0 : i64, tpu.core_type = #tpu.core_type<tc>, window_params = [{transform_indices = @transform_0, window_bounds = array<i64: 32, 512>}, {pipeline_mode = #tpu.pipeline_mode<synchronous>, transform_indices = @transform_1, window_bounds = array<i64: 32, 4096>}, {transform_indices = @transform_2, window_bounds = array<i64: 512, 4096>}]} {
    %get3A = arith.constant 0 : index
    %get3A_0 = arith.constant 0 : index
    %get3A_1 = vector.load %arg1[%get3A, %get3A_0] : memref<32x512xf32, #tpu.memory_space<vmem>>, vector<32x512xf32>
    %convert_element_type3A = arith.truncf %get3A_1 : vector<32x512xf32> to vector<32x512xbf16>
    %get3A_2 = arith.constant 0 : index
    %get3A_3 = arith.constant 0 : index
    %get3A_4 = vector.load %arg2[%get3A_2, %get3A_3] : memref<32x4096xf32, #tpu.memory_space<vmem>>, vector<32x4096xf32>
    %convert_element_type3A_5 = arith.truncf %get3A_4 : vector<32x4096xf32> to vector<32x4096xbf16>
    %dot_general3A = arith.constant dense<0.000000e+00> : vector<512x4096xf32>
    %dot_general3A_6 = tpu.matmul %convert_element_type3A, %convert_element_type3A_5, %dot_general3A {dimension_numbers = #tpu.dot_dimension_numbers<[0], [0], [1], [1], [0, 1, 1, 1], [], []>, transpose_lhs_hint = false} : vector<32x512xbf16>, vector<32x4096xbf16>, vector<512x4096xf32> -> vector<512x4096xf32>
    %swap3A = arith.constant 0 : index
    %swap3A_7 = arith.constant 0 : index
    %swap3A_8 = vector.load %arg3[%swap3A, %swap3A_7] : memref<512x4096xf32, #tpu.memory_space<vmem>>, vector<512x4096xf32>
    tpu.vector_store %arg3[%swap3A, %swap3A_7], %dot_general3A_6 {strides = array<i32>} : memref<512x4096xf32, #tpu.memory_space<vmem>>, vector<512x4096xf32>,
    return
  }
  func.func @transform_0(%arg0: i32) -> (i32, i32) {
    %c0_i32 = arith.constant 0 : i32
    %c0_i32_0 = arith.constant 0 : i32
    return %c0_i32, %arg0 : i32, i32
  }
  func.func @transform_1(%arg0: i32) -> (i32, i32) {
    %c0_i32 = arith.constant 0 : i32
    %c0_i32_0 = arith.constant 0 : i32
    %c0_i32_1 = arith.constant 0 : i32
    return %c0_i32, %c0_i32_0 : i32, i32
  }
  func.func @transform_2(%arg0: i32) -> (i32, i32) {
    %c0_i32 = arith.constant 0 : i32
    %c0_i32_0 = arith.constant 0 : i32
    return %arg0, %c0_i32 : i32, i32
  }
}

</mosaic_0001>

<sc_bundles>
// kernel: kernel.4.cloned.1.call-start
scs
__scs_entry_jumppad:
0x0: {  	(pc) =	sbr.rel $0x88, $3  }
0x1: {  	(tag) =	ssettag $0x0;
	lr =	simm.s32 $0x1  }
0x2: {  	[smem:$0x3F9D] =	sst lr;
	_ =	strace $0xD0000000  }
0x3: {  	_ = 	snop  }
0x4: {  	_ = 	snop  }
0x5: {  	_ = 	snop  }
0x6: {  	_ = 	snop  }
0x7: {  	_ = 	snop  }
__scs_overlays_trampoline_lowered:
0x8: {  	[smem:$0x3FAC] =	sst s0  }
0x9: {  	[smem:$0x3FAD] =	sst s1  }
0xa: {  	[smem:$0x3FAE] =	sst s2  }
0xb: {  	[smem:$0x3FAF] =	sst s3  }
0xc: {  	[smem:$0x3FB0] =	sst s4  }
0xd: {  	[smem:$0x3FB1] =	sst s5  }
0xe: {  	[smem:$0x3FB2] =	sst s6  }
0xf: {  	[smem:$0x3FB3] =	sst s7  }
0x10: {  	[smem:$0x3FB4] =	sst s8  }
0x11: {  	[smem:$0x3FB5] =	sst s9;
	s0 =	simm.s32 @!p0 $0x0  }
0x12: {  	s1 =	sld [smem:$0x3F9B];
	s0 =	simm.s32 @p0 $0x1  }
0x13: {  	[smem:$0x3FB6] =	sst s0;
	s0 =	simm.s32 @!p1 $0x0  }
0x14: {  	s2 =	sld [smem:$0x3F9A];
	s0 =	simm.s32 @p1 $0x1  }
0x15: {  	[smem:$0x3FB7] =	sst s0;
	s0 =	simm.s32 @!p2 $0x0  }
0x16: {  	s3 =	sld [smem:$0x3FDB];
	s0 =	simm.s32 @p2 $0x1  }
0x17: {  	s4 =	simm.s32 $0x1BF5;
	[smem:$0x3FB9] =	sst s0  }
0x18: {  	s0 =	sld [smem:$0x3F9C];
	_ =	swait.ge [sflag:s4], $0x0  }
0x19: {  	s7 =	sld [smem:$0x3F9D]  }
0x1a: {  	s8 =	sadd.s32 $0xFFFFE003, lr  }
0x1b: {  	s9 =	sadd.s32 $0xFFFFFEF7, lr;
	s5 =	simm.s32 $0xFFFFFFFF;
	p2 =	slt.u32 s8, $0xFFFFF086  }
0x1c: {  	p1 =	slt.u32 s9, $0xF7A;
	s5 =	simm.s32 @!p2 $0x0  }
0x1d: {  	s5 =	simm.s32 @p1 $0x1;
	p0 =	seq.s32 s7, s2  }
0x1e: {  	s7 =	smul.u32 @!p0 $0xF7A, s2;
	p2 =	seq.s32 @!p0 s5, $0x0  }
0x1f: {  	s9 =	smul.u32 $0xF7A, s1;
	s8 =	simm.s32 @!p0 $0x1BF5;
	p2 =	por !p2, p0  }
0x20: {  	[sflag:s8] =	ssyncset.s32 @!p0 $0xFFFFF086;
	s6 =	sadd.s32 @!p0 s3, s7;
	s7 =	simm.s32 @!p0 $0x108  }
0x21: {  	s3 =	sadd.s32 s3, s9;
	s6 =	sadd.s32 @!p0 $0x88, s6;
	s7 =	simm.s32 @p2 $0x1082  }
0x22: {  	[simem:s7], [sflag:s8] =	dma.local @!p0 [hbm:s6], $0xF7A  }
0x23: {  	s9 =	sor.u32 $0xD0000000, s2;
	s6 =	simm.s32 $0x108;
	_ =	swait.ge @!p0 [sflag:s8], $0x0  }
0x24: {  	s3 =	sadd.s32 $0x88, s3;
	s6 =	simm.s32 @!p1 $0x1082;
	[sflag:s4] =	ssyncset.s32 $0xFFFFF086  }
0x25: {  	[simem:s6], [sflag:s4] =	dma.local [hbm:s3], $0xF7A  }
0x26: {  	[smem:$0x3F9D] =	sst s1;
	(tag) =	ssettag s2;
	_ =	strace s9  }
0x27: {  	s1 =	sld [smem:$0x3FAD]  }
0x28: {  	s2 =	sld [smem:$0x3FAE]  }
0x29: {  	s4 =	sld [smem:$0x3FB0]  }
0x2a: {  	p0 =	seq.s32 s5, $0x0;
	s5 =	sld [smem:$0x3FB1]  }
0x2b: {  	s6 =	sld [smem:$0x3FB2]  }
0x2c: {  	s7 =	sld [smem:$0x3FB3]  }
0x2d: {  	s3 =	simm.s32 $0x108;
	s8 =	sld [smem:$0x3FB4]  }
0x2e: {  	s3 =	simm.s32 @!p0 $0x1082;
	s9 =	sld [smem:$0x3FB5]  }
0x2f: {  	lr =	sadd.s32 s0, s3;
	s0 =	sld [smem:$0x3FAC]  }
0x30: {  	s3 =	sld [smem:$0x3FAF]  }
0x31: {  	[smem:$0x3FB8] =	sst s10  }
0x32: {  	s10 =	sld [smem:$0x3FB6];
	_ =	sdelay $0x3  }
0x33: {  	p0 =	seq.s32 s10, $0x1;
	s10 =	sld [smem:$0x3FB8];
	_ =	sdelay $0x3  }
0x34: {  	[smem:$0x3FB8] =	sst s10  }
0x35: {  	s10 =	sld [smem:$0x3FB7];
	_ =	sdelay $0x3  }
0x36: {  	p1 =	seq.s32 s10, $0x1;
	s10 =	sld [smem:$0x3FB8];
	_ =	sdelay $0x3  }
0x37: {  	[smem:$0x3FB8] =	sst s10  }
0x38: {  	s10 =	sld [smem:$0x3FB9]  }
0x39: {  	_ = 	snop;
	(pc) =	sbr.ind lr, $3  }
0x3a: {  	_ = 	snop  }
0x3b: {  	_ = 	snop  }
0x3c: {  	p2 =	seq.s32 s10, $0x1;
	s10 =	sld [smem:$0x3FB8]  }
0x3d: {  	_ =	shalt  }
0x3e: {  	_ =	shalt  }
0x3f: {  	_ =	shalt  }
0x40: {  	_ =	shalt  }
0x41: {  	_ =	shalt  }
0x42: {  	_ =	shalt  }
0x43: {  	_ =	shalt  }
0x44: {  	_ =	shalt  }
0x45: {  	_ =	shalt  }
0x46: {  	_ =	shalt  }
0x47: {  	_ =	shalt  }
0x48: {  	_ =	shalt  }
0x49: {  	_ =	shalt  }
0x4a: {  	_ =	shalt  }
0x4b: {  	_ =	shalt  }
0x4c: {  	_ =	shalt  }
0x4d: {  	_ =	shalt  }
0x4e: {  	_ =	shalt  }
0x4f: {  	_ =	shalt  }
0x50: {  	_ =	shalt  }
0x51: {  	_ =	shalt  }
0x52: {  	_ =	shalt  }
0x53: {  	_ =	shalt  }
0x54: {  	_ =	shalt  }
0x55: {  	_ =	shalt  }
0x56: {  	_ =	shalt  }
0x57: {  	_ =	shalt  }
0x58: {  	_ =	shalt  }
0x59: {  	_ =	shalt  }
0x5a: {  	_ =	shalt  }
0x5b: {  	_ =	shalt  }
0x5c: {  	_ =	shalt  }
0x5d: {  	_ =	shalt  }
0x5e: {  	_ =	shalt  }
0x5f: {  	_ =	shalt  }
0x60: {  	_ =	shalt  }
0x61: {  	_ =	shalt  }
0x62: {  	_ =	shalt  }
0x63: {  	_ =	shalt  }
0x64: {  	_ =	shalt  }
0x65: {  	_ =	shalt  }
0x66: {  	_ =	shalt  }
0x67: {  	_ =	shalt  }
0x68: {  	_ =	shalt  }
0x69: {  	_ =	shalt  }
0x6a: {  	_ =	shalt  }
0x6b: {  	_ =	shalt  }
0x6c: {  	_ =	shalt  }
0x6d: {  	_ =	shalt  }
0x6e: {  	_ =	shalt  }
0x6f: {  	_ =	shalt  }
0x70: {  	_ =	shalt  }
0x71: {  	_ =	shalt  }
0x72: {  	_ =	shalt  }
0x73: {  	_ =	shalt  }
0x74: {  	_ =	shalt  }
0x75: {  	_ =	shalt  }
0x76: {  	_ =	shalt  }
0x77: {  	_ =	shalt  }
0x78: {  	_ =	shalt  }
0x79: {  	_ =	shalt  }
0x7a: {  	_ =	shalt  }
0x7b: {  	_ =	shalt  }
0x7c: {  	_ =	shalt  }
0x7d: {  	_ =	shalt  }
0x7e: {  	_ =	shalt  }
0x7f: {  	_ =	shalt  }
0x80: {  	_ =	shalt  }
0x81: {  	_ =	shalt  }
0x82: {  	_ =	shalt  }
0x83: {  	_ =	shalt  }
0x84: {  	_ =	shalt  }
0x85: {  	_ =	shalt  }
0x86: {  	_ =	shalt  }
0x87: {  	_ =	shalt  }
.Lfunc_end0:
.L_simem_size_0:
called_computation_lowered:
.L_overlay_start_0:
0x88: {  	s2 =	sld [smem:$0x3FD9]  }
0x89: {  	s3 =	sld [smem:$0x3FFE];
	_ =	sdelay $0x1  }
0x8a: {  	s1 =	srdreg.scid  }
0x8b: {  	s0 =	sand.u32 $0x1, s1  }
0x8c: {  	s17 =	sshll.u32 s0, $0xA;
	s2 =	sadd.s32 s3, s2  }
0x8d: {  	s2 =	sadd.s32 s2, s17  }
0x8e: {  	[smem:$0x3FC4] =	sst s2  }
0x8f: {  	_ = 	snop  }
0x90: {  	s2 =	sld [smem:$0x3FC9]  }
0x91: {  	s18 =	sld [smem:$0x3FC8]  }
0x92: {  	s4 =	sld [smem:$0x3FC7]  }
0x93: {  	s5 =	sld [smem:$0x3FC6]  }
0x94: {  	s6 =	sld [smem:$0x3FD0];
	(tm) =	ssettm $0x1  }
0x95: {  	s7 =	sld [smem:$0x3FFB];
	_ =	sdelay $0x3  }
0x96: {  	_ =	strace s7  }
0x97: {  	s7 =	sld [smem:$0x3FFC];
	_ =	sdelay $0x3  }
0x98: {  	_ =	strace s7  }
0x99: {  	s7 =	sld [smem:$0x3FFD];
	_ =	sdelay $0x3  }
0x9a: {  	_ =	strace s7  }
0x9b: {  	_ =	strace $0x8FFFFFFF  }
0x9c: {  	s19 =	sld [smem:$0x3FDB];
	_ =	sdelay $0x1  }
0x9d: {  	s8 =	simm.s32 $_scs_section_size  }
0x9e: {  	s9 =	simm.s32 $_size__tile_overlayer_lowered;
	s10 =	simm.s32 $_tile_overlayer_lowered  }
0x9f: {  	s22 =	simm.s32 $0x1BFF;
	s21 =	sshll.u32 s10, $0x1;
	s7 =	sadd.s32 s8, s19  }
0xa0: {  	s11 =	simm.s32 $0x0;
	s20 =	sshll.u32 s9, $0x1;
	s9 =	sadd.s32 s21, s7  }
0xa1: {  	[timem:s11], [sflag:s22] =	dma.local [hbm:s9], s20  }
0xa2: {  	_ =	swait.ge [sflag:s22], s20  }
0xa3: {  	s8 =	ssub.s32 $0x0, s20;
	[sflag:s22] =	ssyncset.done $0x0  }
0xa4: {  	[sflag:s22] =	ssyncadd.s32 s8;
	_ =	sdelay $0x1  }
0xa5: {  	s23 =	simm.s32 $0x1B8B  }
0xa6: {  	_ =	swait.ge [sflag:s23], $0x1  }
0xa7: {  	[sflag:s23] =	ssyncset.done $0x0  }
0xa8: {  	s25 =	simm.s32 $0x1B8E;
	s24 =	sld [smem:$0x3FFE];
	[sflag:s23] =	ssyncadd.s32 $0xFFFFFFFF  }
0xa9: {  	s26 =	simm.s32 $execute0_lowered;
	[smem:$0x3FD2] =	sst s25  }
0xaa: {  	s9 =	sshll.u32 s26, $0x1;
	_ =	strace $0x80000046;
	[dreg:$0x1] =	wrdreg $0xFFFFFFFF  }
0xab: {  	s28 =	simm.s32 $_size_execute0_lowered;
	s7 =	sadd.s32 s7, s9;
	[dreg:$0x0] =	wrdreg $0x0  }
0xac: {  	s9 =	sshll.u32 s28, $0x1;
	[dreg:$0x2] =	wrdreg s7  }
0xad: {  	[dreg:$0x3] =	wrdreg s9  }
0xae: {  	[dreg:$0x4] =	wrdreg $0xC0  }
0xaf: {  	_ =	task [dreg:s11], $0x5FFFF  }
0xb0: {  	[dreg:$0x1] =	wrdreg $0xFFFFFFFF  }
0xb1: {  	[dreg:$0x0] =	wrdreg $0x60  }
0xb2: {  	[dreg:$0x2] =	wrdreg s2  }
0xb3: {  	[dreg:$0x3] =	wrdreg s18  }
0xb4: {  	[dreg:$0x4] =	wrdreg s4  }
0xb5: {  	[dreg:$0x5] =	wrdreg s5  }
0xb6: {  	[dreg:$0x6] =	wrdreg s6  }
0xb7: {  	[dreg:$0x7] =	wrdreg s24  }
0xb8: {  	[dreg:$0x8] =	wrdreg $0x9  }
0xb9: {  	_ =	task.clear_ibuf [dreg:s11], $0x9FFFF;
	_ =	strace $0x90000046  }
0xba: {  	s29 =	simm.s32 $0x9;
	_ =	strace $0x80000048  }
0xbb: {  	_ =	swait.ge [sflag:s29], $0x1  }
0xbc: {  	[sflag:s29] =	ssyncadd.s32 $0xFFFFFFFF  }
0xbd: {  	_ =	strace $0x90000048  }
0xbe: {  	_ =	sfence  }
0xbf: {  	s30 =	sld [smem:$0x0];
	_ =	sdelay $0x2  }
0xc0: {  	s31 =	sshll.u32 s1, $0xD;
	s1 =	sshrl.u32 s1, $0x2  }
0xc1: {  	s3 =	sand.u32 $0x4000, s31;
	s1 =	sadd.s32 s1, s30  }
0xc2: {  	s0 =	sor.u32 s3, s0;
	s1 =	sshll.u32 s1, $0x11  }
0xc3: {  	s0 =	sor.u32 s1, s0  }
0xc4: {  	s0 =	sadd.s32 $0x8F2B, s0  }
0xc5: {  	[sflag:s0] =	ssyncadd.remote.s32 $0x1  }
0xc6: {  	_ =	sfence.sel $0xFFFF  }
0xc7: {  	[dreg:$0x0] =	wrdreg $0xFFFFFFFF;
	(pc) =	sbr.abs _section_cstart, $3  }
0xc8: {  	[dreg:$0x1] =	wrdreg $0xFFFFFFFF  }
0xc9: {  	_ =	task.clear_ibuf [dreg:s11], $0x2FFFF;
	_ =	strace $0x9FFFFFFF  }
0xca: {  	(tm) =	ssettm $0x7FFFFFFF  }
0xcb: {  	_ =	shalt  }
tec
execute0_lowered:
.L_overlay_start_1:
0x0: {  	(tag) =	ssettag $0x1  }
0x1: {  	s0 =	rddreg [dreg:$0x0]  }
0x2: {  	s3 =	rddreg [dreg:$0x1]  }
0x3: {  	s1 =	rddreg [dreg:$0x2]  }
0x4: {  	s2 =	rddreg [dreg:$0x3]  }
0x5: {  	s4 =	rddreg [dreg:$0x4]  }
0x6: {  	s5 =	rddreg [dreg:$0x5]  }
0x7: {  	s6 =	srdreg.scid;
	s7 =	stileid.u32  }
0x8: {  	s8 =	simm.s32 $0x0;
	s11 =	simm.s32 $0x400;
	s12 =	simm.s32 $0x7A1400  }
0x9: {  	s28 =	simm.s32 $0x200;
	s29 =	simm.s32 $0x4200;
	s10 =	simm.s32 $0x7200  }
0xa: {  	s18 =	simm.s32 $0x8200;
	s16 =	simm.s32 $0x9200;
	s19 =	simm.s32 $0xA200  }
0xb: {  	s20 =	simm.s32 $0xB200;
	s21 =	simm.s32 $0xC200;
	s30 =	simm.s32 $0x1  }
0xc: {  	s31 =	simm.s32 $0x10200;
	s6 =	sand.u32 $0x1, s6;
	s7 =	sshll.u32 s7, $0x1  }
0xd: {  	[smem:$0x7FF] =	sst s8;
	s8 =	simm.s32 $0x5200;
	s7 =	sor.u32 s6, s7  }
0xe: {  	s6 =	ssub.s32 $0x2, s6;
	_ =	strace $0x80000047;
	s22 =	sshll.u32 s7, $0x7  }
0xf: {  	s9 =	sshrl.u32 s6, $0x1;
	s7 =	sshll.u32 s7, $0x4;
	s5 =	sadd.s32 s22, s5  }
0x10: {  	s6 =	ssub.s32 s6, s9;
	s0 =	sadd.s32 s0, s7;
	s23 =	sadd.s32 s3, s7  }
0x11: {  	s24 =	sadd.s32 s4, s22;
	s7 =	simm.s32 $0x3;
	[dreg:$0x7] =	wrdreg s0  }
0x12: {  	s9 =	simm.s32 $0x6200;
	s22 =	simm.s32 $0xD200;
	[dreg:$0x8] =	wrdreg s23  }
0x13: {  	v0 =	vlaneseq.u32;
	s3 =	simm.s32 $0x11200;
	[dreg:$0x9] =	wrdreg s24;
	s25 =	sadd.s32 $0xC00, s5  }
0x14: {  	v0 =	vmul.u32 $0x80, v0;
	s26 =	smax.u32 s6, $0x1;
	s24 =	simm.s32 $0x1200;
	s23 =	simm.s32 $0xE200  }
0x15: {  	s0 =	simm.s32 $0x2;
	s5 =	simm.s32 $0x0;
	[dreg:$0xa] =	wrdreg s25  }
0x16: {  	v1 =	vor.u32 $0x800, v0;
	[dreg:$0xb] =	wrdreg s26;
	s25 =	simm.s32 $0x2200;
	s26 =	simm.s32 $0x3200  }
.LBB2_1:
0x17: {  	[dreg:$0xc] =	wrdreg s5  }
0x18: {  	s4 =	simm.s32 $0x0;
	s15 =	rddreg [dreg:$0x7]  }
0x19: {  	[tilespmem:s4], [sflag:$0x3] =	stream.linear.gather [hbm4b:s15+s4], $0x80, $0x38;
	[tilespmem:$0x12200] =	vst v63  }
0x1a: {  	_ =	swait.ge [sflag:s7], $0x80  }
0x1b: {  	[sflag:s7] =	ssyncset.done $0x0  }
0x1c: {  	s6 =	simm.s32 $0x100;
	s17 =	rddreg [dreg:$0x8];
	[sflag:s7] =	ssyncadd.s32 $0xFFFFFF80  }
0x1d: {  	[tilespmem:s6], [sflag:$0x3] =	stream.linear.gather [hbm4b:s17+s4], $0x80, $0x38;
	[tilespmem:$0x12200] =	vst v63  }
0x1e: {  	_ =	swait.ge [sflag:s7], $0x80  }
0x1f: {  	[sflag:s7] =	ssyncset.done $0x0  }
0x20: {  	[sflag:s7] =	ssyncadd.s32 $0xFFFFFF80  }
0x21: {  	v2 =	vld [tilespmem:$0x0];
	_ =	sdelay $0x4  }
0x22: {  	(v2sf) =	vpush v2, $0x0;
	_ =	sdelay $0x1  }
0x23: {  	(v2sf) =	vpush v2, $0x1;
	_ =	sdelay $0x2  }
0x24: {  	(v2sf) =	vpush v2, $0x2;
	_ =	sdelay $0x2  }
0x25: {  	(v2sf) =	vpush v2, $0x3;
	_ =	sdelay $0x2  }
0x26: {  	(v2sf) =	vpush v2, $0x4;
	_ =	sdelay $0x2  }
0x27: {  	(v2sf) =	vpush v2, $0x5  }
0x28: {  	s13 =	spop (v2sf)  }
0x29: {  	s4 =	sand.u32 $0xFFFFF80, s13  }
0x2a: {  	s14 =	spop (v2sf);
	s4 =	sadd.s32 s1, s4  }
0x2b: {  	[tilespmem:s28], [sflag:$0x1] =	stream.strided.gather [hbm4b:s4+s11], $0x1000, s12, s11, $0x38;
	[tilespmem:$0x12200] =	vst v63  }
0x2c: {  	(v2sf) =	vpush v2, $0x6;
	s4 =	sand.u32 $0xFFFFF80, s14  }
0x2d: {  	s15 =	spop (v2sf);
	s4 =	sadd.s32 s1, s4  }
0x2e: {  	[tilespmem:s24], [sflag:$0x1] =	stream.strided.gather [hbm4b:s4+s11], $0x1000, s12, s11, $0x38;
	[tilespmem:$0x12200] =	vst v63  }
0x2f: {  	s4 =	sand.u32 $0xFFFFF80, s15  }
0x30: {  	(v2sf) =	vpush v2, $0x7;
	s17 =	spop (v2sf);
	s4 =	sadd.s32 s1, s4  }
0x31: {  	[tilespmem:s25], [sflag:$0x1] =	stream.strided.gather [hbm4b:s4+s11], $0x1000, s12, s11, $0x38;
	[tilespmem:$0x12200] =	vst v63  }
0x32: {  	s4 =	sand.u32 $0xFFFFF80, s17  }
0x33: {  	s5 =	spop (v2sf);
	s4 =	sadd.s32 s1, s4  }
0x34: {  	[tilespmem:s26], [sflag:$0x1] =	stream.strided.gather [hbm4b:s4+s11], $0x1000, s12, s11, $0x38;
	[tilespmem:$0x12200] =	vst v63  }
0x35: {  	s4 =	sand.u32 $0xFFFFF80, s5  }
0x36: {  	s7 =	spop (v2sf);
	s4 =	sadd.s32 s1, s4  }
0x37: {  	[tilespmem:s29], [sflag:$0x1] =	stream.strided.gather [hbm4b:s4+s11], $0x1000, s12, s11, $0x38;
	[tilespmem:$0x12200] =	vst v63  }
0x38: {  	s4 =	sand.u32 $0xFFFFF80, s7  }
0x39: {  	s4 =	sadd.s32 s1, s4  }
0x3a: {  	[tilespmem:s8], [sflag:$0x1] =	stream.strided.gather [hbm4b:s4+s11], $0x1000, s12, s11, $0x38;
	[tilespmem:$0x12200] =	vst v63  }
0x3b: {  	s8 =	spop (v2sf)  }
0x3c: {  	s4 =	sand.u32 $0xFFFFF80, s8  }
0x3d: {  	s4 =	sadd.s32 s1, s4  }
0x3e: {  	[tilespmem:s9], [sflag:$0x1] =	stream.strided.gather [hbm4b:s4+s11], $0x1000, s12, s11, $0x38;
	[tilespmem:$0x12200] =	vst v63  }
0x3f: {  	s9 =	spop (v2sf)  }
0x40: {  	s4 =	sand.u32 $0xFFFFF80, s9  }
0x41: {  	s4 =	sadd.s32 s1, s4  }
0x42: {  	[tilespmem:s10], [sflag:$0x1] =	stream.strided.gather [hbm4b:s4+s11], $0x1000, s12, s11, $0x38;
	[tilespmem:$0x12200] =	vst v63  }
0x43: {  	v2 =	vld [tilespmem:s6+$0x0];
	_ =	sdelay $0x4  }
0x44: {  	(v2sf) =	vpush v2, $0x0  }
0x45: {  	(v2sf) =	vpush v2, $0x1  }
0x46: {  	(v2sf) =	vpush v2, $0x2;
	_ =	sdelay $0x1  }
0x47: {  	(v2sf) =	vpush v2, $0x3;
	_ =	sdelay $0x1  }
0x48: {  	(v2sf) =	vpush v2, $0x4;
	_ =	sdelay $0x1  }
0x49: {  	(v2sf) =	vpush v2, $0x5;
	_ =	sdelay $0x1  }
0x4a: {  	(v2sf) =	vpush v2, $0x6;
	_ =	sdelay $0x1  }
0x4b: {  	(v2sf) =	vpush v2, $0x7;
	_ =	sdelay $0x2  }
0x4c: {  	s15 =	spop (v2sf)  }
0x4d: {  	s7 =	simm.s32 $0x8;
	s13 =	sand.u32 $0xFFFFF80, s15;
	s14 =	spop (v2sf)  }
0x4e: {  	v2 =	vld [tilespmem:s7+$0xFFFFFFF8];
	s4 =	sadd.s32 s2, s13;
	s17 =	sand.u32 $0xFFFFF80, s14;
	s13 =	spop (v2sf)  }
0x4f: {  	[tilespmem:s18], [sflag:$0x2] =	stream.strided.gather [hbm4b:s4+s11], $0x1000, s12, s11, $0x38;
	[tilespmem:$0x12200] =	vst v63  }
0x50: {  	s8 =	sadd.s32 s2, s17;
	s9 =	sand.u32 $0xFFFFF80, s13;
	s10 =	spop (v2sf)  }
0x51: {  	[tilespmem:s16], [sflag:$0x2] =	stream.strided.gather [hbm4b:s8+s11], $0x1000, s12, s11, $0x38;
	[tilespmem:$0x12200] =	vst v63  }
0x52: {  	s17 =	sadd.s32 s2, s9;
	s18 =	sand.u32 $0xFFFFF80, s10;
	s9 =	spop (v2sf)  }
0x53: {  	(v2sf) =	vpush v2, $0x2;
	[tilespmem:s19], [sflag:$0x2] =	stream.strided.gather [hbm4b:s17+s11], $0x1000, s12, s11, $0x38;
	[tilespmem:$0x12200] =	vst v63  }
0x54: {  	(v2sf) =	vpush v2, $0x1;
	s5 =	sadd.s32 s2, s18;
	s16 =	sand.u32 $0xFFFFF80, s9;
	s8 =	spop (v2sf)  }
0x55: {  	[tilespmem:s20], [sflag:$0x2] =	stream.strided.gather [hbm4b:s5+s11], $0x1000, s12, s11, $0x38;
	[tilespmem:$0x12200] =	vst v63  }
0x56: {  	(v2sf) =	vpush v2, $0x7;
	s18 =	sand.u32 $0xFFFFF80, s8;
	s17 =	sadd.s32 s2, s16;
	s5 =	spop (v2sf)  }
0x57: {  	(v2sf) =	vpush v2, $0x3;
	[tilespmem:s21], [sflag:$0x2] =	stream.strided.gather [hbm4b:s17+s11], $0x1000, s12, s11, $0x38;
	[tilespmem:$0x12200] =	vst v63  }
0x58: {  	(v2sf) =	vpush v2, $0x4;
	s16 =	sadd.s32 s2, s18;
	s19 =	spop (v2sf);
	s17 =	sand.u32 $0xFFFFF80, s5  }
0x59: {  	[tilespmem:s22], [sflag:$0x2] =	stream.strided.gather [hbm4b:s16+s11], $0x1000, s12, s11, $0x38;
	[tilespmem:$0x12200] =	vst v63  }
0x5a: {  	(v2sf) =	vpush v2, $0x6;
	s21 =	sand.u32 $0xFFFFF80, s19;
	s20 =	sadd.s32 s2, s17  }
0x5b: {  	(v2sf) =	vpush v2, $0x5;
	[tilespmem:s23], [sflag:$0x2] =	stream.strided.gather [hbm4b:s20+s11], $0x1000, s12, s11, $0x38;
	[tilespmem:$0x12200] =	vst v63  }
0x5c: {  	(v2sf) =	vpush v2, $0x0;
	[dreg:$0xd] =	wrdreg s19;
	s22 =	sadd.s32 s2, s21;
	s23 =	simm.s32 $0xF200  }
0x5d: {  	[tilespmem:s23], [sflag:$0x2] =	stream.strided.gather [hbm4b:s22+s11], $0x1000, s12, s11, $0x38;
	[tilespmem:$0x12200] =	vst v63  }
0x5e: {  	_ =	swait.ge [sflag:s30], $0x1000  }
0x5f: {  	[sflag:s30] =	ssyncset.done $0x0  }
0x60: {  	[sflag:s30] =	ssyncadd.s32 $0xFFFFF000  }
0x61: {  	_ =	swait.ge [sflag:s30], $0x1000  }
0x62: {  	[sflag:s30] =	ssyncset.done $0x0;
	s20 =	spop (v2sf)  }
0x63: {  	[sflag:s30] =	ssyncadd.s32 $0xFFFFF000;
	s21 =	spop (v2sf)  }
0x64: {  	_ =	swait.ge [sflag:s30], $0x1000  }
0x65: {  	s16 =	spop (v2sf)  }
0x66: {  	[sflag:s30] =	ssyncset.done $0x0;
	s22 =	spop (v2sf)  }
0x67: {  	[sflag:s30] =	ssyncadd.s32 $0xFFFFF000;
	s19 =	spop (v2sf)  }
0x68: {  	_ =	swait.ge [sflag:s30], $0x1000  }
0x69: {  	s17 =	spop (v2sf)  }
0x6a: {  	[sflag:s30] =	ssyncset.done $0x0;
	s18 =	spop (v2sf)  }
0x6b: {  	[sflag:s30] =	ssyncadd.s32 $0xFFFFF000;
	s4 =	spop (v2sf)  }
0x6c: {  	_ =	swait.ge [sflag:s30], $0x1000  }
0x6d: {  	[sflag:s30] =	ssyncset.done $0x0  }
0x6e: {  	[sflag:s30] =	ssyncadd.s32 $0xFFFFF000  }
0x6f: {  	_ =	swait.ge [sflag:s30], $0x1000  }
0x70: {  	[sflag:s30] =	ssyncset.done $0x0  }
0x71: {  	[sflag:s30] =	ssyncadd.s32 $0xFFFFF000  }
0x72: {  	s23 =	sand.u32 $0x7F, s4;
	_ =	swait.ge [sflag:s30], $0x1000  }
0x73: {  	s4 =	simm.s32 $0x0;
	v2 =	vor.u32 s23, v0;
	[sflag:s30] =	ssyncset.done $0x0  }
0x74: {  	v4 =	vor.u32 s23, v1;
	v3 =	vmov s4;
	[sflag:s30] =	ssyncadd.s32 $0xFFFFF000  }
0x75: {  	v3 =	vand.u32 $0x78, v3;
	_ =	swait.ge [sflag:s30], $0x1000  }
0x76: {  	v5 =	vbroadcast v3, $0x0;
	[sflag:s30] =	ssyncset.done $0x0  }
0x77: {  	[sflag:s30] =	ssyncadd.s32 $0xFFFFF000  }
0x78: {  	v3 =	vor.u32 v0, v5;
	v2 =	vld.idx.msk [tilespmem:v2+s28+$0x0], $0xffff  }
0x79: {  	s4 =	sand.u32 $0x7F, s21;
	v6 =	vld.idx.msk [tilespmem:v4+s28+$0x0], $0xffff;
	v4 =	vor.u32 v1, v5  }
0x7a: {  	s21 =	simm.s32 $0x1;
	v5 =	vor.u32 s4, v0  }
0x7b: {  	v7 =	vor.u32 s4, v1;
	v8 =	vmov s21  }
0x7c: {  	v8 =	vand.u32 $0x79, v8  }
0x7d: {  	[tilespmem:v3+s31+$0x0] =	vst.idx.msk $0xffff, v2;
	v2 =	vbroadcast v8, $0x0  }
0x7e: {  	[tilespmem:v4+s31+$0x0] =	vst.idx.msk $0xffff, v6  }
0x7f: {  	v37 =	vld.idx.msk [tilespmem:v5+s24+$0x0], $0xffff;
	v5 =	vor.u32 v0, v2  }
0x80: {  	s4 =	sand.u32 $0x7F, s20;
	v7 =	vld.idx.msk [tilespmem:v7+s24+$0x0], $0xffff;
	v38 =	vor.u32 v1, v2  }
0x81: {  	s20 =	simm.s32 $0x2;
	v2 =	vor.u32 s4, v0  }
0x82: {  	v9 =	vor.u32 s4, v1;
	v10 =	vmov s20  }
0x83: {  	v10 =	vand.u32 $0x7A, v10  }
0x84: {  	v39 =	vbroadcast v10, $0x0;
	[tilespmem:v5+s31+$0x0] =	vst.idx.msk $0xffff, v37  }
0x85: {  	[tilespmem:v38+s31+$0x0] =	vst.idx.msk $0xffff, v7  }
0x86: {  	v40 =	vor.u32 v0, v39;
	v2 =	vld.idx.msk [tilespmem:v2+s25+$0x0], $0xffff  }
0x87: {  	s20 =	sand.u32 $0x7F, s22;
	v8 =	vor.u32 v1, v39;
	v9 =	vld.idx.msk [tilespmem:v9+s25+$0x0], $0xffff  }
0x88: {  	v41 =	vor.u32 s20, v0;
	s25 =	simm.s32 $0x3  }
0x89: {  	v11 =	vor.u32 s20, v1;
	v12 =	vmov s25  }
0x8a: {  	v12 =	vand.u32 $0x7B, v12  }
0x8b: {  	[tilespmem:v40+s31+$0x0] =	vst.idx.msk $0xffff, v2;
	v2 =	vbroadcast v12, $0x0  }
0x8c: {  	[tilespmem:v8+s31+$0x0] =	vst.idx.msk $0xffff, v9  }
0x8d: {  	v42 =	vld.idx.msk [tilespmem:v41+s26+$0x0], $0xffff;
	v43 =	vor.u32 v0, v2  }
0x8e: {  	s25 =	sand.u32 $0x7F, s19;
	v11 =	vld.idx.msk [tilespmem:v11+s26+$0x0], $0xffff;
	v44 =	vor.u32 v1, v2  }
0x8f: {  	v2 =	vor.u32 s25, v0;
	s26 =	simm.s32 $0x4  }
0x90: {  	v13 =	vor.u32 s25, v1;
	v14 =	vmov s26  }
0x91: {  	v14 =	vand.u32 $0x7C, v14  }
0x92: {  	v45 =	vbroadcast v14, $0x0;
	[tilespmem:v43+s31+$0x0] =	vst.idx.msk $0xffff, v42  }
0x93: {  	[tilespmem:v44+s31+$0x0] =	vst.idx.msk $0xffff, v11  }
0x94: {  	v46 =	vor.u32 v0, v45;
	v2 =	vld.idx.msk [tilespmem:v2+s29+$0x0], $0xffff  }
0x95: {  	s25 =	sand.u32 $0x7F, s18;
	v12 =	vor.u32 v1, v45;
	v13 =	vld.idx.msk [tilespmem:v13+s29+$0x0], $0xffff  }
0x96: {  	v47 =	vor.u32 s25, v0;
	s26 =	simm.s32 $0x5  }
0x97: {  	v15 =	vor.u32 s25, v1;
	v16 =	vmov s26  }
0x98: {  	v16 =	vand.u32 $0x7D, v16  }
0x99: {  	[tilespmem:v46+s31+$0x0] =	vst.idx.msk $0xffff, v2;
	v2 =	vbroadcast v16, $0x0  }
0x9a: {  	s18 =	simm.s32 $0x5200;
	[tilespmem:v12+s31+$0x0] =	vst.idx.msk $0xffff, v13  }
0x9b: {  	v48 =	vld.idx.msk [tilespmem:v47+s18+$0x0], $0xffff;
	v49 =	vor.u32 v0, v2  }
0x9c: {  	s25 =	sand.u32 $0x7F, s17;
	v15 =	vld.idx.msk [tilespmem:v15+s18+$0x0], $0xffff;
	v50 =	vor.u32 v1, v2  }
0x9d: {  	s26 =	simm.s32 $0x6;
	v2 =	vor.u32 s25, v0  }
0x9e: {  	v17 =	vor.u32 s25, v1;
	v18 =	vmov s26  }
0x9f: {  	v18 =	vand.u32 $0x7E, v18  }
0xa0: {  	v51 =	vbroadcast v18, $0x0;
	[tilespmem:v49+s31+$0x0] =	vst.idx.msk $0xffff, v48  }
0xa1: {  	s4 =	simm.s32 $0x6200;
	[tilespmem:v50+s31+$0x0] =	vst.idx.msk $0xffff, v15  }
0xa2: {  	v52 =	vor.u32 v0, v51;
	v2 =	vld.idx.msk [tilespmem:v2+s4+$0x0], $0xffff  }
0xa3: {  	s16 =	sand.u32 $0x7F, s16;
	v16 =	vor.u32 v1, v51;
	v17 =	vld.idx.msk [tilespmem:v17+s4+$0x0], $0xffff  }
0xa4: {  	v53 =	vor.u32 s16, v0;
	s17 =	simm.s32 $0x7  }
0xa5: {  	v19 =	vor.u32 s16, v1;
	v20 =	vmov s17  }
0xa6: {  	v20 =	vand.u32 $0x7F, v20  }
0xa7: {  	[tilespmem:v52+s31+$0x0] =	vst.idx.msk $0xffff, v2;
	v2 =	vbroadcast v20, $0x0  }
0xa8: {  	s18 =	simm.s32 $0x7200;
	[tilespmem:v16+s31+$0x0] =	vst.idx.msk $0xffff, v17  }
0xa9: {  	v18 =	vld.idx.msk [tilespmem:v53+s18+$0x0], $0xffff;
	v54 =	vor.u32 v0, v2  }
0xaa: {  	v19 =	vld.idx.msk [tilespmem:v19+s18+$0x0], $0xffff;
	v2 =	vor.u32 v1, v2;
	_ =	sdelay $0x3  }
0xab: {  	[tilespmem:v54+s31+$0x0] =	vst.idx.msk $0xffff, v18  }
0xac: {  	p0 =	por $0x0, $0x0;
	[tilespmem:v2+s31+$0x0] =	vst.idx.msk $0xffff, v19  }
0xad: {  	v18 =	vld @!p0 [tilespmem:s7+$0x0];
	_ =	sdelay $0x4  }
0xae: {  	(v2sf) =	vpush @!p0 v18, $0x0;
	_ =	sdelay $0x3  }
0xaf: {  	(v2sf) =	vpush @!p0 v18, $0x1;
	_ =	sdelay $0x3  }
0xb0: {  	(v2sf) =	vpush @!p0 v18, $0x2;
	_ =	sdelay $0x3  }
0xb1: {  	(v2sf) =	vpush @!p0 v18, $0x3;
	_ =	sdelay $0x2  }
0xb2: {  	s4 =	spop @!p0 (v2sf)  }
0xb3: {  	s16 =	simm.s32 @!p0 $0x7A1400;
	(v2sf) =	vpush @!p0 v18, $0x4;
	s4 =	sand.u32 @!p0 $0xFFFFF80, s4  }
0xb4: {  	s17 =	simm.s32 @!p0 $0x200;
	s18 =	simm.s32 @!p0 $0x400;
	s4 =	sadd.s32 @!p0 s1, s4  }
0xb5: {  	[tilespmem:s17], [sflag:$0x1] =	stream.strided.gather @!p0 [hbm4b:s4+s18], $0x1000, s16, s18, $0x38;
	[tilespmem:$0x12200] =	vst v63  }
0xb6: {  	s4 =	spop @!p0 (v2sf)  }
0xb7: {  	(v2sf) =	vpush @!p0 v18, $0x5;
	s4 =	sand.u32 @!p0 $0xFFFFF80, s4  }
0xb8: {  	s17 =	simm.s32 @!p0 $0x1200;
	s4 =	sadd.s32 @!p0 s1, s4  }
0xb9: {  	[tilespmem:s17], [sflag:$0x1] =	stream.strided.gather @!p0 [hbm4b:s4+s18], $0x1000, s16, s18, $0x38;
	[tilespmem:$0x12200] =	vst v63  }
0xba: {  	s4 =	spop @!p0 (v2sf)  }
0xbb: {  	(v2sf) =	vpush @!p0 v18, $0x6;
	s4 =	sand.u32 @!p0 $0xFFFFF80, s4  }
0xbc: {  	s17 =	simm.s32 @!p0 $0x2200;
	s4 =	sadd.s32 @!p0 s1, s4  }
0xbd: {  	[tilespmem:s17], [sflag:$0x1] =	stream.strided.gather @!p0 [hbm4b:s4+s18], $0x1000, s16, s18, $0x38;
	[tilespmem:$0x12200] =	vst v63  }
0xbe: {  	s4 =	spop @!p0 (v2sf)  }
0xbf: {  	(v2sf) =	vpush @!p0 v18, $0x7;
	s4 =	sand.u32 @!p0 $0xFFFFF80, s4  }
0xc0: {  	s17 =	simm.s32 @!p0 $0x3200;
	s4 =	sadd.s32 @!p0 s1, s4  }
0xc1: {  	[tilespmem:s17], [sflag:$0x1] =	stream.strided.gather @!p0 [hbm4b:s4+s18], $0x1000, s16, s18, $0x38;
	[tilespmem:$0x12200] =	vst v63  }
0xc2: {  	s4 =	spop @!p0 (v2sf)  }
0xc3: {  	s4 =	sand.u32 @!p0 $0xFFFFF80, s4  }
0xc4: {  	s17 =	simm.s32 @!p0 $0x4200;
	s4 =	sadd.s32 @!p0 s1, s4  }
0xc5: {  	[tilespmem:s17], [sflag:$0x1] =	stream.strided.gather @!p0 [hbm4b:s4+s18], $0x1000, s16, s18, $0x38;
	[tilespmem:$0x12200] =	vst v63  }
0xc6: {  	s4 =	spop @!p0 (v2sf)  }
0xc7: {  	s4 =	sand.u32 @!p0 $0xFFFFF80, s4  }
0xc8: {  	s17 =	simm.s32 @!p0 $0x5200;
	s4 =	sadd.s32 @!p0 s1, s4  }
0xc9: {  	[tilespmem:s17], [sflag:$0x1] =	stream.strided.gather @!p0 [hbm4b:s4+s18], $0x1000, s16, s18, $0x38;
	[tilespmem:$0x12200] =	vst v63  }
0xca: {  	s4 =	spop @!p0 (v2sf)  }
0xcb: {  	s4 =	sand.u32 @!p0 $0xFFFFF80, s4  }
0xcc: {  	s17 =	simm.s32 @!p0 $0x6200;
	s4 =	sadd.s32 @!p0 s1, s4  }
0xcd: {  	[tilespmem:s17], [sflag:$0x1] =	stream.strided.gather @!p0 [hbm4b:s4+s18], $0x1000, s16, s18, $0x38;
	[tilespmem:$0x12200] =	vst v63  }
0xce: {  	s4 =	spop @!p0 (v2sf)  }
0xcf: {  	s4 =	sand.u32 @!p0 $0xFFFFF80, s4  }
0xd0: {  	s17 =	simm.s32 @!p0 $0x7200;
	s4 =	sadd.s32 @!p0 s1, s4  }
0xd1: {  	[tilespmem:s17], [sflag:$0x1] =	stream.strided.gather @!p0 [hbm4b:s4+s18], $0x1000, s16, s18, $0x38;
	[tilespmem:$0x12200] =	vst v63  }
0xd2: {  	_ =	swait.ge [sflag:s0], $0x1000  }
0xd3: {  	[sflag:s0] =	ssyncset.done $0x0  }
0xd4: {  	[sflag:s0] =	ssyncadd.s32 $0xFFFFF000  }
0xd5: {  	_ =	swait.ge [sflag:s0], $0x1000  }
0xd6: {  	[sflag:s0] =	ssyncset.done $0x0  }
0xd7: {  	[sflag:s0] =	ssyncadd.s32 $0xFFFFF000  }
0xd8: {  	_ =	swait.ge [sflag:s0], $0x1000  }
0xd9: {  	[sflag:s0] =	ssyncset.done $0x0  }
0xda: {  	[sflag:s0] =	ssyncadd.s32 $0xFFFFF000  }
0xdb: {  	_ =	swait.ge [sflag:s0], $0x1000  }
0xdc: {  	[sflag:s0] =	ssyncset.done $0x0  }
0xdd: {  	[sflag:s0] =	ssyncadd.s32 $0xFFFFF000  }
0xde: {  	_ =	swait.ge [sflag:s0], $0x1000  }
0xdf: {  	[sflag:s0] =	ssyncset.done $0x0  }
0xe0: {  	[sflag:s0] =	ssyncadd.s32 $0xFFFFF000  }
0xe1: {  	_ =	swait.ge [sflag:s0], $0x1000  }
0xe2: {  	[sflag:s0] =	ssyncset.done $0x0  }
0xe3: {  	[sflag:s0] =	ssyncadd.s32 $0xFFFFF000  }
0xe4: {  	s25 =	sand.u32 $0x7F, s15;
	_ =	swait.ge [sflag:s0], $0x1000  }
0xe5: {  	v55 =	vor.u32 s25, v0;
	[sflag:s0] =	ssyncset.done $0x0  }
0xe6: {  	v56 =	vor.u32 s25, v1;
	[sflag:s0] =	ssyncadd.s32 $0xFFFFF000  }
0xe7: {  	_ =	swait.ge [sflag:s0], $0x1000  }
0xe8: {  	[sflag:s0] =	ssyncset.done $0x0  }
0xe9: {  	s18 =	simm.s32 $0x8200;
	[sflag:s0] =	ssyncadd.s32 $0xFFFFF000  }
0xea: {  	v18 =	vld.idx.msk [tilespmem:v55+s18+$0x0], $0xffff  }
0xeb: {  	s26 =	sand.u32 $0x7F, s14;
	v19 =	vld.idx.msk [tilespmem:v56+s18+$0x0], $0xffff  }
0xec: {  	v57 =	vor.u32 s26, v0  }
0xed: {  	v21 =	vor.u32 s26, v1;
	_ =	sdelay $0x1  }
0xee: {  	[tilespmem:v3+s3+$0x0] =	vst.idx.msk $0xffff, v18  }
0xef: {  	s16 =	simm.s32 $0x9200;
	[tilespmem:v4+s3+$0x0] =	vst.idx.msk $0xffff, v19  }
0xf0: {  	v3 =	vld.idx.msk [tilespmem:v57+s16+$0x0], $0xffff  }
0xf1: {  	s13 =	sand.u32 $0x7F, s13;
	v4 =	vld.idx.msk [tilespmem:v21+s16+$0x0], $0xffff  }
0xf2: {  	v58 =	vor.u32 s13, v0  }
0xf3: {  	v59 =	vor.u32 s13, v1;
	_ =	sdelay $0x1  }
0xf4: {  	[tilespmem:v5+s3+$0x0] =	vst.idx.msk $0xffff, v3  }
0xf5: {  	s19 =	simm.s32 $0xA200;
	[tilespmem:v38+s3+$0x0] =	vst.idx.msk $0xffff, v4  }
0xf6: {  	v3 =	vld.idx.msk [tilespmem:v58+s19+$0x0], $0xffff  }
0xf7: {  	s14 =	sand.u32 $0x7F, s10;
	v4 =	vld.idx.msk [tilespmem:v59+s19+$0x0], $0xffff  }
0xf8: {  	v5 =	vor.u32 s14, v0  }
0xf9: {  	v60 =	vor.u32 s14, v1;
	_ =	sdelay $0x1  }
0xfa: {  	[tilespmem:v40+s3+$0x0] =	vst.idx.msk $0xffff, v3  }
0xfb: {  	s20 =	simm.s32 $0xB200;
	[tilespmem:v8+s3+$0x0] =	vst.idx.msk $0xffff, v4  }
0xfc: {  	v3 =	vld.idx.msk [tilespmem:v5+s20+$0x0], $0xffff  }
0xfd: {  	s15 =	sand.u32 $0x7F, s9;
	v4 =	vld.idx.msk [tilespmem:v60+s20+$0x0], $0xffff  }
0xfe: {  	v5 =	vor.u32 s15, v0  }
0xff: {  	v61 =	vor.u32 s15, v1;
	_ =	sdelay $0x1  }
0x100: {  	[tilespmem:v43+s3+$0x0] =	vst.idx.msk $0xffff, v3  }
0x101: {  	s21 =	simm.s32 $0xC200;
	[tilespmem:v44+s3+$0x0] =	vst.idx.msk $0xffff, v4  }
0x102: {  	v3 =	vld.idx.msk [tilespmem:v5+s21+$0x0], $0xffff  }
0x103: {  	s17 =	sand.u32 $0x7F, s8;
	v4 =	vld.idx.msk [tilespmem:v61+s21+$0x0], $0xffff  }
0x104: {  	v5 =	vor.u32 s17, v0  }
0x105: {  	v62 =	vor.u32 s17, v1;
	_ =	sdelay $0x1  }
0x106: {  	[tilespmem:v46+s3+$0x0] =	vst.idx.msk $0xffff, v3  }
0x107: {  	s22 =	simm.s32 $0xD200;
	[tilespmem:v12+s3+$0x0] =	vst.idx.msk $0xffff, v4  }
0x108: {  	v3 =	vld.idx.msk [tilespmem:v5+s22+$0x0], $0xffff  }
0x109: {  	s25 =	sand.u32 $0x7F, s5;
	v4 =	vld.idx.msk [tilespmem:v62+s22+$0x0], $0xffff  }
0x10a: {  	v5 =	vor.u32 s25, v0;
	_ =	sdelay $0x1  }
0x10b: {  	v63 =	vor.u32 s25, v1  }
0x10c: {  	[tilespmem:v49+s3+$0x0] =	vst.idx.msk $0xffff, v3  }
0x10d: {  	s23 =	simm.s32 $0xE200;
	[tilespmem:v50+s3+$0x0] =	vst.idx.msk $0xffff, v4  }
0x10e: {  	v3 =	vld.idx.msk [tilespmem:v5+s23+$0x0], $0xffff  }
0x10f: {  	s26 =	rddreg [dreg:$0xd]  }
0x110: {  	s4 =	sand.u32 $0x7F, s26;
	v4 =	vld.idx.msk [tilespmem:v63+s23+$0x0], $0xffff  }
0x111: {  	v5 =	vor.u32 s4, v0;
	_ =	sdelay $0x1  }
0x112: {  	[tilespmem:v52+s3+$0x0] =	vst.idx.msk $0xffff, v3;
	v3 =	vor.u32 s4, v1;
	_ =	sdelay $0x1  }
0x113: {  	s24 =	simm.s32 $0xF200;
	[tilespmem:v16+s3+$0x0] =	vst.idx.msk $0xffff, v4  }
0x114: {  	v4 =	vld.idx.msk [tilespmem:v5+s24+$0x0], $0xffff;
	_ =	sdelay $0x1  }
0x115: {  	v3 =	vld.idx.msk [tilespmem:v3+s24+$0x0], $0xffff;
	_ =	sdelay $0x2  }
0x116: {  	s29 =	simm.s32 $0x3200;
	s8 =	simm.s32 $0xF;
	[tilespmem:v54+s3+$0x0] =	vst.idx.msk $0xffff, v4  }
.LBB2_2:
0x117: {  	s7 =	sadd.s32 $0x8, s7  }
0x118: {  	[tilespmem:v2+s3+$0x0] =	vst.idx.msk $0xffff, v3;
	s6 =	sadd.s32 $0x8, s6;
	s17 =	smov.u32 s8;
	s8 =	sadd.s32 $0x8, s8  }
0x119: {  	v2 =	vld [tilespmem:s6+$0x0];
	p0 =	sne.s32 s8, $0x87;
	_ =	sdelay $0x4  }
0x11a: {  	(v2sf) =	vpush v2, $0x0  }
0x11b: {  	(v2sf) =	vpush v2, $0x1  }
0x11c: {  	(v2sf) =	vpush v2, $0x2;
	_ =	sdelay $0x1  }
0x11d: {  	(v2sf) =	vpush v2, $0x3;
	_ =	sdelay $0x1  }
0x11e: {  	(v2sf) =	vpush v2, $0x4;
	_ =	sdelay $0x1  }
0x11f: {  	(v2sf) =	vpush v2, $0x5;
	_ =	sdelay $0x1  }
0x120: {  	(v2sf) =	vpush v2, $0x6;
	_ =	sdelay $0x1  }
0x121: {  	(v2sf) =	vpush v2, $0x7;
	_ =	sdelay $0x2  }
0x122: {  	s4 =	spop (v2sf)  }
0x123: {  	s9 =	sand.u32 $0xFFFFF80, s4;
	s5 =	sand.u32 $0x7F, s4;
	s4 =	spop (v2sf)  }
0x124: {  	v2 =	vld [tilespmem:s7+$0xFFFFFFF8];
	s9 =	sadd.s32 s2, s9;
	s10 =	sand.u32 $0xFFFFF80, s4;
	s13 =	spop (v2sf)  }
0x125: {  	[tilespmem:s18], [sflag:$0x2] =	stream.strided.gather [hbm4b:s9+s11], $0x1000, s12, s11, $0x38;
	[tilespmem:$0x12200] =	vst v63  }
0x126: {  	s9 =	sadd.s32 s2, s10;
	s10 =	sand.u32 $0xFFFFF80, s13;
	s14 =	spop (v2sf)  }
0x127: {  	[tilespmem:s16], [sflag:$0x2] =	stream.strided.gather [hbm4b:s9+s11], $0x1000, s12, s11, $0x38;
	[tilespmem:$0x12200] =	vst v63  }
0x128: {  	s9 =	sadd.s32 s2, s10;
	s10 =	sand.u32 $0xFFFFF80, s14;
	s18 =	spop (v2sf)  }
0x129: {  	[tilespmem:s19], [sflag:$0x2] =	stream.strided.gather [hbm4b:s9+s11], $0x1000, s12, s11, $0x38;
	(v2sf) =	vpush v2, $0x2;
	[tilespmem:$0x12200] =	vst v63  }
0x12a: {  	s9 =	sadd.s32 s2, s10;
	s10 =	sand.u32 $0xFFFFF80, s18;
	s19 =	spop (v2sf);
	(v2sf) =	vpush v2, $0x1  }
0x12b: {  	[tilespmem:s20], [sflag:$0x2] =	stream.strided.gather [hbm4b:s9+s11], $0x1000, s12, s11, $0x38;
	(v2sf) =	vpush v2, $0x7;
	[tilespmem:$0x12200] =	vst v63  }
0x12c: {  	s9 =	sadd.s32 s2, s10;
	s10 =	sand.u32 $0xFFFFF80, s19;
	s20 =	spop (v2sf);
	(v2sf) =	vpush v2, $0x3  }
0x12d: {  	[tilespmem:s21], [sflag:$0x2] =	stream.strided.gather [hbm4b:s9+s11], $0x1000, s12, s11, $0x38;
	(v2sf) =	vpush v2, $0x4;
	[tilespmem:$0x12200] =	vst v63  }
0x12e: {  	s9 =	sadd.s32 s2, s10;
	s10 =	sand.u32 $0xFFFFF80, s20;
	s21 =	spop (v2sf);
	(v2sf) =	vpush v2, $0x6  }
0x12f: {  	[tilespmem:s22], [sflag:$0x2] =	stream.strided.gather [hbm4b:s9+s11], $0x1000, s12, s11, $0x38;
	(v2sf) =	vpush v2, $0x5;
	[tilespmem:$0x12200] =	vst v63  }
0x130: {  	s16 =	sand.u32 $0x7F, s4;
	s9 =	sadd.s32 s2, s10;
	s10 =	sand.u32 $0xFFFFF80, s21;
	(v2sf) =	vpush v2, $0x0  }
0x131: {  	[tilespmem:s23], [sflag:$0x2] =	stream.strided.gather [hbm4b:s9+s11], $0x1000, s12, s11, $0x38;
	[tilespmem:$0x12200] =	vst v63  }
0x132: {  	s15 =	sand.u32 $0x7F, s13;
	s14 =	sand.u32 $0x7F, s14;
	s4 =	sadd.s32 s2, s10  }
0x133: {  	[tilespmem:s24], [sflag:$0x2] =	stream.strided.gather [hbm4b:s4+s11], $0x1000, s12, s11, $0x38;
	[tilespmem:$0x12200] =	vst v63  }
0x134: {  	s13 =	sand.u32 $0x7F, s18;
	s10 =	sand.u32 $0x7F, s19;
	_ =	swait.ge [sflag:s30], $0x1000  }
0x135: {  	s9 =	sand.u32 $0x7F, s21;
	s4 =	sand.u32 $0x7F, s20;
	[sflag:s30] =	ssyncset.done $0x0  }
0x136: {  	[sflag:s30] =	ssyncadd.s32 $0xFFFFF000  }
0x137: {  	_ =	swait.ge [sflag:s30], $0x1000  }
0x138: {  	[sflag:s30] =	ssyncset.done $0x0;
	s18 =	spop (v2sf)  }
0x139: {  	[sflag:s30] =	ssyncadd.s32 $0xFFFFF000;
	s19 =	spop (v2sf)  }
0x13a: {  	_ =	swait.ge [sflag:s30], $0x1000  }
0x13b: {  	s24 =	sand.u32 $0x7F, s19;
	s19 =	spop (v2sf)  }
0x13c: {  	s23 =	sand.u32 $0x7F, s18;
	[sflag:s30] =	ssyncset.done $0x0;
	s22 =	spop (v2sf)  }
0x13d: {  	s18 =	sand.u32 $0x7F, s19;
	[sflag:s30] =	ssyncadd.s32 $0xFFFFF000;
	s21 =	spop (v2sf)  }
0x13e: {  	_ =	swait.ge [sflag:s30], $0x1000  }
0x13f: {  	s19 =	spop (v2sf)  }
0x140: {  	[sflag:s30] =	ssyncset.done $0x0;
	s20 =	spop (v2sf)  }
0x141: {  	[sflag:s30] =	ssyncadd.s32 $0xFFFFF000;
	s25 =	spop (v2sf)  }
0x142: {  	_ =	swait.ge [sflag:s30], $0x1000;
	s25 =	sand.u32 $0x7F, s25  }
0x143: {  	[sflag:s30] =	ssyncset.done $0x0  }
0x144: {  	[sflag:s30] =	ssyncadd.s32 $0xFFFFF000  }
0x145: {  	_ =	swait.ge [sflag:s30], $0x1000  }
0x146: {  	[sflag:s30] =	ssyncset.done $0x0  }
0x147: {  	[sflag:s30] =	ssyncadd.s32 $0xFFFFF000  }
0x148: {  	_ =	swait.ge [sflag:s30], $0x1000  }
0x149: {  	v2 =	vor.u32 s25, v0;
	[sflag:s30] =	ssyncset.done $0x0  }
0x14a: {  	s26 =	sadd.s32 $0xFFFFFFF9, s17;
	v3 =	vor.u32 s25, v1;
	[sflag:s30] =	ssyncadd.s32 $0xFFFFF000  }
0x14b: {  	v4 =	vmov s26;
	_ =	swait.ge [sflag:s30], $0x1000  }
0x14c: {  	v4 =	vand.u32 $0x78, v4;
	[sflag:s30] =	ssyncset.done $0x0  }
0x14d: {  	v4 =	vbroadcast v4, $0x0;
	[sflag:s30] =	ssyncadd.s32 $0xFFFFF000  }
0x14e: {  	v2 =	vld.idx.msk [tilespmem:v2+s28+$0x0], $0xffff  }
0x14f: {  	v5 =	vld.idx.msk [tilespmem:v3+s28+$0x0], $0xffff;
	v3 =	vor.u32 v0, v4  }
0x150: {  	v4 =	vor.u32 v1, v4  }
0x151: {  	v6 =	vor.u32 s24, v0  }
0x152: {  	v7 =	vor.u32 s24, v1;
	s25 =	sadd.s32 $0xFFFFFFFA, s17  }
0x153: {  	v8 =	vmov s25  }
0x154: {  	[tilespmem:v3+s31+$0x0] =	vst.idx.msk $0xffff, v2;
	v2 =	vand.u32 $0x79, v8  }
0x155: {  	s24 =	simm.s32 $0x1200;
	[tilespmem:v4+s31+$0x0] =	vst.idx.msk $0xffff, v5;
	v2 =	vbroadcast v2, $0x0  }
0x156: {  	v8 =	vld.idx.msk [tilespmem:v6+s24+$0x0], $0xffff  }
0x157: {  	v7 =	vld.idx.msk [tilespmem:v7+s24+$0x0], $0xffff;
	v5 =	vor.u32 v0, v2  }
0x158: {  	v6 =	vor.u32 v1, v2  }
0x159: {  	v2 =	vor.u32 s23, v0  }
0x15a: {  	v9 =	vor.u32 s23, v1;
	s24 =	sadd.s32 $0xFFFFFFFB, s17  }
0x15b: {  	v10 =	vmov s24  }
0x15c: {  	[tilespmem:v5+s31+$0x0] =	vst.idx.msk $0xffff, v8;
	v8 =	vand.u32 $0x7A, v10  }
0x15d: {  	s23 =	simm.s32 $0x2200;
	[tilespmem:v6+s31+$0x0] =	vst.idx.msk $0xffff, v7;
	v8 =	vbroadcast v8, $0x0  }
0x15e: {  	v2 =	vld.idx.msk [tilespmem:v2+s23+$0x0], $0xffff  }
0x15f: {  	v9 =	vld.idx.msk [tilespmem:v9+s23+$0x0], $0xffff;
	v7 =	vor.u32 v0, v8  }
0x160: {  	s22 =	sand.u32 $0x7F, s22;
	v8 =	vor.u32 v1, v8  }
0x161: {  	v10 =	vor.u32 s22, v0  }
0x162: {  	v11 =	vor.u32 s22, v1;
	s23 =	sadd.s32 $0xFFFFFFFC, s17  }
0x163: {  	v12 =	vmov s23  }
0x164: {  	[tilespmem:v7+s31+$0x0] =	vst.idx.msk $0xffff, v2;
	v2 =	vand.u32 $0x7B, v12  }
0x165: {  	[tilespmem:v8+s31+$0x0] =	vst.idx.msk $0xffff, v9;
	v2 =	vbroadcast v2, $0x0  }
0x166: {  	v12 =	vld.idx.msk [tilespmem:v10+s29+$0x0], $0xffff  }
0x167: {  	v11 =	vld.idx.msk [tilespmem:v11+s29+$0x0], $0xffff;
	v9 =	vor.u32 v0, v2  }
0x168: {  	s21 =	sand.u32 $0x7F, s21;
	v10 =	vor.u32 v1, v2  }
0x169: {  	v2 =	vor.u32 s21, v0  }
0x16a: {  	v13 =	vor.u32 s21, v1;
	s22 =	sadd.s32 $0xFFFFFFFD, s17  }
0x16b: {  	v14 =	vmov s22  }
0x16c: {  	[tilespmem:v9+s31+$0x0] =	vst.idx.msk $0xffff, v12;
	v12 =	vand.u32 $0x7C, v14  }
0x16d: {  	s21 =	simm.s32 $0x4200;
	[tilespmem:v10+s31+$0x0] =	vst.idx.msk $0xffff, v11;
	v12 =	vbroadcast v12, $0x0  }
0x16e: {  	v2 =	vld.idx.msk [tilespmem:v2+s21+$0x0], $0xffff  }
0x16f: {  	v13 =	vld.idx.msk [tilespmem:v13+s21+$0x0], $0xffff;
	v11 =	vor.u32 v0, v12  }
0x170: {  	s20 =	sand.u32 $0x7F, s20;
	v12 =	vor.u32 v1, v12  }
0x171: {  	v14 =	vor.u32 s20, v0  }
0x172: {  	v15 =	vor.u32 s20, v1;
	s21 =	sadd.s32 $0xFFFFFFFE, s17  }
0x173: {  	v16 =	vmov s21  }
0x174: {  	[tilespmem:v11+s31+$0x0] =	vst.idx.msk $0xffff, v2;
	v2 =	vand.u32 $0x7D, v16  }
0x175: {  	s20 =	simm.s32 $0x5200;
	[tilespmem:v12+s31+$0x0] =	vst.idx.msk $0xffff, v13;
	v2 =	vbroadcast v2, $0x0  }
0x176: {  	v16 =	vld.idx.msk [tilespmem:v14+s20+$0x0], $0xffff  }
0x177: {  	v15 =	vld.idx.msk [tilespmem:v15+s20+$0x0], $0xffff;
	v13 =	vor.u32 v0, v2  }
0x178: {  	s19 =	sand.u32 $0x7F, s19;
	v14 =	vor.u32 v1, v2  }
0x179: {  	v2 =	vor.u32 s19, v0  }
0x17a: {  	v17 =	vor.u32 s19, v1;
	s20 =	sadd.s32 $0xFFFFFFFF, s17  }
0x17b: {  	v18 =	vmov s20  }
0x17c: {  	[tilespmem:v13+s31+$0x0] =	vst.idx.msk $0xffff, v16;
	v16 =	vand.u32 $0x7E, v18  }
0x17d: {  	s19 =	simm.s32 $0x6200;
	[tilespmem:v14+s31+$0x0] =	vst.idx.msk $0xffff, v15;
	v16 =	vbroadcast v16, $0x0  }
0x17e: {  	v2 =	vld.idx.msk [tilespmem:v2+s19+$0x0], $0xffff  }
0x17f: {  	v17 =	vld.idx.msk [tilespmem:v17+s19+$0x0], $0xffff;
	v15 =	vor.u32 v0, v16  }
0x180: {  	v16 =	vor.u32 v1, v16  }
0x181: {  	v18 =	vor.u32 s18, v0  }
0x182: {  	v19 =	vor.u32 s18, v1  }
0x183: {  	v20 =	vmov s17  }
0x184: {  	[tilespmem:v15+s31+$0x0] =	vst.idx.msk $0xffff, v2;
	v2 =	vand.u32 $0x7F, v20  }
0x185: {  	s18 =	simm.s32 $0x7200;
	[tilespmem:v16+s31+$0x0] =	vst.idx.msk $0xffff, v17;
	v2 =	vbroadcast v2, $0x0  }
0x186: {  	v18 =	vld.idx.msk [tilespmem:v18+s18+$0x0], $0xffff  }
0x187: {  	v19 =	vld.idx.msk [tilespmem:v19+s18+$0x0], $0xffff;
	v17 =	vor.u32 v0, v2  }
0x188: {  	v2 =	vor.u32 v1, v2;
	_ =	sdelay $0x3  }
0x189: {  	[tilespmem:v17+s31+$0x0] =	vst.idx.msk $0xffff, v18  }
0x18a: {  	p1 =	seq.s32 s17, $0x7F;
	[tilespmem:v2+s31+$0x0] =	vst.idx.msk $0xffff, v19  }
0x18b: {  	v18 =	vld @!p1 [tilespmem:s7+$0x0];
	_ =	sdelay $0x4  }
0x18c: {  	(v2sf) =	vpush @!p1 v18, $0x0  }
0x18d: {  	(v2sf) =	vpush @!p1 v18, $0x1  }
0x18e: {  	(v2sf) =	vpush @!p1 v18, $0x2;
	_ =	sdelay $0x1  }
0x18f: {  	(v2sf) =	vpush @!p1 v18, $0x3;
	_ =	sdelay $0x1  }
0x190: {  	(v2sf) =	vpush @!p1 v18, $0x4;
	_ =	sdelay $0x1  }
0x191: {  	(v2sf) =	vpush @!p1 v18, $0x5;
	_ =	sdelay $0x1  }
0x192: {  	(v2sf) =	vpush @!p1 v18, $0x6;
	_ =	sdelay $0x1  }
0x193: {  	(v2sf) =	vpush @!p1 v18, $0x7  }
0x194: {  	s17 =	simm.s32 @!p1 $0x4200;
	s18 =	simm.s32 @!p1 $0x5200  }
0x195: {  	s21 =	simm.s32 @!p1 $0x3200;
	s20 =	simm.s32 @!p1 $0x2200;
	s19 =	simm.s32 @!p1 $0x1200  }
0x196: {  	s22 =	simm.s32 @!p1 $0x7A1400;
	s23 =	simm.s32 @!p1 $0x200;
	s24 =	spop @!p1 (v2sf)  }
0x197: {  	s25 =	simm.s32 @!p1 $0x400;
	s24 =	sand.u32 @!p1 $0xFFFFF80, s24;
	s26 =	spop @!p1 (v2sf)  }
0x198: {  	s24 =	sadd.s32 @!p1 s1, s24;
	s26 =	sand.u32 @!p1 $0xFFFFF80, s26;
	s28 =	spop @!p1 (v2sf)  }
0x199: {  	[tilespmem:s23], [sflag:$0x1] =	stream.strided.gather @!p1 [hbm4b:s24+s25], $0x1000, s22, s25, $0x38;
	[tilespmem:$0x12200] =	vst v63  }
0x19a: {  	s23 =	sadd.s32 @!p1 s1, s26  }
0x19b: {  	s24 =	sand.u32 @!p1 $0xFFFFF80, s28;
	s28 =	simm.s32 $0x200;
	s26 =	spop @!p1 (v2sf)  }
0x19c: {  	[tilespmem:s19], [sflag:$0x1] =	stream.strided.gather @!p1 [hbm4b:s23+s25], $0x1000, s22, s25, $0x38;
	[tilespmem:$0x12200] =	vst v63  }
0x19d: {  	s19 =	sadd.s32 @!p1 s1, s24;
	s23 =	sand.u32 @!p1 $0xFFFFF80, s26;
	s24 =	spop @!p1 (v2sf)  }
0x19e: {  	[tilespmem:s20], [sflag:$0x1] =	stream.strided.gather @!p1 [hbm4b:s19+s25], $0x1000, s22, s25, $0x38;
	[tilespmem:$0x12200] =	vst v63  }
0x19f: {  	s19 =	sadd.s32 @!p1 s1, s23  }
0x1a0: {  	s20 =	sand.u32 @!p1 $0xFFFFF80, s24;
	s24 =	simm.s32 $0xF200;
	s23 =	spop @!p1 (v2sf)  }
0x1a1: {  	[tilespmem:s21], [sflag:$0x1] =	stream.strided.gather @!p1 [hbm4b:s19+s25], $0x1000, s22, s25, $0x38;
	[tilespmem:$0x12200] =	vst v63  }
0x1a2: {  	s19 =	sadd.s32 @!p1 s1, s20  }
0x1a3: {  	s20 =	sand.u32 @!p1 $0xFFFFF80, s23;
	s23 =	simm.s32 $0xE200;
	s21 =	spop @!p1 (v2sf)  }
0x1a4: {  	[tilespmem:s17], [sflag:$0x1] =	stream.strided.gather @!p1 [hbm4b:s19+s25], $0x1000, s22, s25, $0x38;
	[tilespmem:$0x12200] =	vst v63  }
0x1a5: {  	s17 =	sadd.s32 @!p1 s1, s20  }
0x1a6: {  	s19 =	sand.u32 @!p1 $0xFFFFF80, s21;
	s21 =	simm.s32 $0xC200;
	s20 =	spop @!p1 (v2sf)  }
0x1a7: {  	[tilespmem:s18], [sflag:$0x1] =	stream.strided.gather @!p1 [hbm4b:s17+s25], $0x1000, s22, s25, $0x38;
	[tilespmem:$0x12200] =	vst v63  }
0x1a8: {  	s17 =	sadd.s32 @!p1 s1, s19  }
0x1a9: {  	s18 =	simm.s32 @!p1 $0x6200;
	s19 =	sand.u32 @!p1 $0xFFFFF80, s20;
	s20 =	simm.s32 $0xB200  }
0x1aa: {  	[tilespmem:s18], [sflag:$0x1] =	stream.strided.gather @!p1 [hbm4b:s17+s25], $0x1000, s22, s25, $0x38;
	[tilespmem:$0x12200] =	vst v63  }
0x1ab: {  	s17 =	sadd.s32 @!p1 s1, s19;
	s19 =	simm.s32 $0xA200;
	s18 =	simm.s32 @!p1 $0x7200  }
0x1ac: {  	[tilespmem:s18], [sflag:$0x1] =	stream.strided.gather @!p1 [hbm4b:s17+s25], $0x1000, s22, s25, $0x38;
	[tilespmem:$0x12200] =	vst v63  }
0x1ad: {  	s22 =	simm.s32 $0xD200;
	s18 =	simm.s32 $0x8200  }
0x1ae: {  	_ =	swait.ge [sflag:s0], $0x1000  }
0x1af: {  	[sflag:s0] =	ssyncset.done $0x0  }
0x1b0: {  	[sflag:s0] =	ssyncadd.s32 $0xFFFFF000  }
0x1b1: {  	_ =	swait.ge [sflag:s0], $0x1000  }
0x1b2: {  	[sflag:s0] =	ssyncset.done $0x0  }
0x1b3: {  	[sflag:s0] =	ssyncadd.s32 $0xFFFFF000  }
0x1b4: {  	_ =	swait.ge [sflag:s0], $0x1000  }
0x1b5: {  	[sflag:s0] =	ssyncset.done $0x0  }
0x1b6: {  	[sflag:s0] =	ssyncadd.s32 $0xFFFFF000  }
0x1b7: {  	_ =	swait.ge [sflag:s0], $0x1000  }
0x1b8: {  	[sflag:s0] =	ssyncset.done $0x0  }
0x1b9: {  	[sflag:s0] =	ssyncadd.s32 $0xFFFFF000  }
0x1ba: {  	_ =	swait.ge [sflag:s0], $0x1000  }
0x1bb: {  	[sflag:s0] =	ssyncset.done $0x0  }
0x1bc: {  	[sflag:s0] =	ssyncadd.s32 $0xFFFFF000  }
0x1bd: {  	_ =	swait.ge [sflag:s0], $0x1000  }
0x1be: {  	[sflag:s0] =	ssyncset.done $0x0  }
0x1bf: {  	[sflag:s0] =	ssyncadd.s32 $0xFFFFF000  }
0x1c0: {  	_ =	swait.ge [sflag:s0], $0x1000  }
0x1c1: {  	v18 =	vor.u32 s5, v0;
	[sflag:s0] =	ssyncset.done $0x0  }
0x1c2: {  	v19 =	vor.u32 s5, v1;
	[sflag:s0] =	ssyncadd.s32 $0xFFFFF000  }
0x1c3: {  	_ =	swait.ge [sflag:s0], $0x1000  }
0x1c4: {  	[sflag:s0] =	ssyncset.done $0x0  }
0x1c5: {  	[sflag:s0] =	ssyncadd.s32 $0xFFFFF000  }
0x1c6: {  	v18 =	vld.idx.msk [tilespmem:v18+s18+$0x0], $0xffff  }
0x1c7: {  	v19 =	vld.idx.msk [tilespmem:v19+s18+$0x0], $0xffff;
	_ =	sdelay $0x1  }
0x1c8: {  	v20 =	vor.u32 s16, v0  }
0x1c9: {  	v21 =	vor.u32 s16, v1;
	s16 =	simm.s32 $0x9200;
	_ =	sdelay $0x1  }
0x1ca: {  	[tilespmem:v3+s3+$0x0] =	vst.idx.msk $0xffff, v18  }
0x1cb: {  	[tilespmem:v4+s3+$0x0] =	vst.idx.msk $0xffff, v19  }
0x1cc: {  	v3 =	vld.idx.msk [tilespmem:v20+s16+$0x0], $0xffff  }
0x1cd: {  	v4 =	vld.idx.msk [tilespmem:v21+s16+$0x0], $0xffff;
	_ =	sdelay $0x1  }
0x1ce: {  	v18 =	vor.u32 s15, v0  }
0x1cf: {  	v19 =	vor.u32 s15, v1;
	_ =	sdelay $0x1  }
0x1d0: {  	[tilespmem:v5+s3+$0x0] =	vst.idx.msk $0xffff, v3  }
0x1d1: {  	[tilespmem:v6+s3+$0x0] =	vst.idx.msk $0xffff, v4  }
0x1d2: {  	v3 =	vld.idx.msk [tilespmem:v18+s19+$0x0], $0xffff  }
0x1d3: {  	v4 =	vld.idx.msk [tilespmem:v19+s19+$0x0], $0xffff;
	_ =	sdelay $0x1  }
0x1d4: {  	v5 =	vor.u32 s14, v0  }
0x1d5: {  	v6 =	vor.u32 s14, v1;
	_ =	sdelay $0x1  }
0x1d6: {  	[tilespmem:v7+s3+$0x0] =	vst.idx.msk $0xffff, v3  }
0x1d7: {  	[tilespmem:v8+s3+$0x0] =	vst.idx.msk $0xffff, v4  }
0x1d8: {  	v3 =	vld.idx.msk [tilespmem:v5+s20+$0x0], $0xffff  }
0x1d9: {  	v4 =	vld.idx.msk [tilespmem:v6+s20+$0x0], $0xffff;
	_ =	sdelay $0x1  }
0x1da: {  	v5 =	vor.u32 s13, v0  }
0x1db: {  	v6 =	vor.u32 s13, v1;
	_ =	sdelay $0x1  }
0x1dc: {  	[tilespmem:v9+s3+$0x0] =	vst.idx.msk $0xffff, v3  }
0x1dd: {  	[tilespmem:v10+s3+$0x0] =	vst.idx.msk $0xffff, v4  }
0x1de: {  	v3 =	vld.idx.msk [tilespmem:v5+s21+$0x0], $0xffff  }
0x1df: {  	v4 =	vld.idx.msk [tilespmem:v6+s21+$0x0], $0xffff;
	_ =	sdelay $0x1  }
0x1e0: {  	v5 =	vor.u32 s10, v0  }
0x1e1: {  	v6 =	vor.u32 s10, v1;
	_ =	sdelay $0x1  }
0x1e2: {  	[tilespmem:v11+s3+$0x0] =	vst.idx.msk $0xffff, v3  }
0x1e3: {  	[tilespmem:v12+s3+$0x0] =	vst.idx.msk $0xffff, v4  }
0x1e4: {  	v3 =	vld.idx.msk [tilespmem:v5+s22+$0x0], $0xffff  }
0x1e5: {  	v4 =	vld.idx.msk [tilespmem:v6+s22+$0x0], $0xffff;
	_ =	sdelay $0x1  }
0x1e6: {  	v5 =	vor.u32 s4, v0  }
0x1e7: {  	v6 =	vor.u32 s4, v1;
	_ =	sdelay $0x1  }
0x1e8: {  	[tilespmem:v13+s3+$0x0] =	vst.idx.msk $0xffff, v3  }
0x1e9: {  	[tilespmem:v14+s3+$0x0] =	vst.idx.msk $0xffff, v4  }
0x1ea: {  	v3 =	vld.idx.msk [tilespmem:v5+s23+$0x0], $0xffff  }
0x1eb: {  	v4 =	vld.idx.msk [tilespmem:v6+s23+$0x0], $0xffff;
	_ =	sdelay $0x1  }
0x1ec: {  	v5 =	vor.u32 s9, v0  }
0x1ed: {  	v6 =	vor.u32 s9, v1;
	_ =	sdelay $0x1  }
0x1ee: {  	[tilespmem:v15+s3+$0x0] =	vst.idx.msk $0xffff, v3  }
0x1ef: {  	[tilespmem:v16+s3+$0x0] =	vst.idx.msk $0xffff, v4  }
0x1f0: {  	v4 =	vld.idx.msk [tilespmem:v5+s24+$0x0], $0xffff  }
0x1f1: {  	v3 =	vld.idx.msk [tilespmem:v6+s24+$0x0], $0xffff  }
.Ltmp0:
0x1f2: {  	(pc) =	sbr.rel @p0 .LBB2_2-.Ltmp0, $2  }
0x1f3: {  	_ =	sdelay $0x2  }
0x1f4: {  	[tilespmem:v17+s3+$0x0] =	vst.idx.msk $0xffff, v4  }
0x1f5: {  	_ =	sdelay $0x3  }
0x1f6: {  	[tilespmem:v2+s3+$0x0] =	vst.idx.msk $0xffff, v3;
	s4 =	rddreg [dreg:$0x9];
	s5 =	simm.s32 $0x8000;
	s7 =	simm.s32 $0x3  }
0x1f7: {  	[hbm4b:s4+s11] =	stream.strided.scatter [tilespmem:s31], [sflag:$0x3], $0x1000, s5, s11, $0x38;
	[tilespmem:$0x12200] =	vst v63  }
0x1f8: {  	_ =	swait.ge [sflag:s7], $0x1000  }
0x1f9: {  	[sflag:s7] =	ssyncset.done $0x0  }
0x1fa: {  	s24 =	rddreg [dreg:$0xa];
	[sflag:s7] =	ssyncadd.s32 $0xFFFFF000  }
0x1fb: {  	[hbm4b:s24+s11] =	stream.strided.scatter [tilespmem:s3], [sflag:$0x3], $0x1000, s5, s11, $0x38;
	[tilespmem:$0x12200] =	vst v63  }
0x1fc: {  	_ =	swait.ge [sflag:s7], $0x1000  }
0x1fd: {  	s25 =	rddreg [dreg:$0xc]  }
0x1fe: {  	s26 =	rddreg [dreg:$0xb];
	s5 =	sadd.s32 $0x1, s25  }
0x1ff: {  	p0 =	sne.s32 s5, s26  }
.Ltmp1:
0x200: {  	_ = 	snop;
	(pc) =	sbr.rel @p0 .LBB2_1-.Ltmp1, $4  }
0x201: {  	_ = 	snop  }
0x202: {  	s29 =	simm.s32 $0x4200;
	s8 =	simm.s32 $0x5200;
	s9 =	simm.s32 $0x6200  }
0x203: {  	s10 =	simm.s32 $0x7200;
	s24 =	simm.s32 $0x1200;
	[sflag:s7] =	ssyncset.done $0x0  }
0x204: {  	[sflag:s7] =	ssyncadd.s32 $0xFFFFF000;
	s25 =	simm.s32 $0x2200;
	s26 =	simm.s32 $0x3200  }
0x205: {  	_ =	sfence.sel $0x180000  }
0x206: {  	[bflag:$0x0] =	sbarrier.arrive $0xFFFF  }
0x207: {  	_ =	strace $0x90000047  }
0x208: {  	s0 =	stileid.u32;
	[bflag:$0x2] =	sbarrier.arrive $0xFFFF  }
0x209: {  	p0 =	sne.s32 s0, $0x0;
	s0 =	rddreg [dreg:$0x6]  }
0x20a: {  	s0 =	sadd.s32 @!p0 $0x100000, s0  }
0x20b: {  	[sflag:s0] =	ssyncadd.tile.s32 @!p0 $0x1;
	_ =	shalt  }
.Lfunc_end2:
_tile_overlayer_lowered:
.L_overlay_start_2:
0x20c: {  	(tag) =	ssettag $0x2  }
0x20d: {  	s0 =	rddreg [dreg:$0x0];
	s2 =	stileid.u32  }
0x20e: {  	s1 =	rddreg [dreg:$0x1];
	p0 =	sne.s32 s2, $0x0  }
0x20f: {  	s3 =	rddreg [dreg:$0x2];
	[bflag:$0x3] =	sbarrier.arrive $0xFFFF;
	s2 =	simm.s32 @!p0 $0x1C03  }
0x210: {  	[timem:s3], [sflag:s2] =	dma.local @!p0 [hbm:s0], s1  }
0x211: {  	s0 =	simm.s32 @!p0 $0x3  }
0x212: {  	_ =	swait.ge @!p0 [sflag:s0], s1  }
0x213: {  	s1 =	ssub.s32 @!p0 $0x0, s1;
	[sflag:s0] =	ssyncset.done @!p0 $0x0  }
0x214: {  	[sflag:s0] =	ssyncadd.s32 @!p0 s1  }
0x215: {  	[bflag:$0x3] =	sbarrier.arrive $0xFFFF  }
0x216: {  	_ =	shalt  }

</sc_bundles>
